<compile_context>
chip_gen: v7x
topology: tpu7x:2x2x1
jax: 0.10.2.dev20260603
libtpu: 0.0.44.dev20260713+nightly
codegen_flags: <defaults>
</compile_context>

<pallas_src>
import functools

import jax
import jax.numpy as jnp
from jax import lax
from jax.experimental import pallas as pl
from jax.experimental.pallas import tpu as pltpu
from jax.experimental.pallas import tpu_sc as plsc

_B, _S = 4096, 200
_N = _B * _S
_WD, _PD, _OD = 60, 4, 64
_MAXLEN = 200
_NC, _NS = 2, 16
_NW = _NC * _NS
_ROWS_W = _N // _NW
_IB = 128
_K = 8
_CH = _IB * _K
_NCH = _ROWS_W // _CH
_L = 16
_TC0 = _OD - _L


def _emb_body(x_hbm, p_hbm, wt_hbm, pt_hbm, out_hbm,
              xidx, pidx_v, out_v, pt_v, tail_v, sem_i, sem_w):
    sid = lax.axis_index("s")
    wid = sid * _NC + lax.axis_index("c")
    row0 = wid * _ROWS_W

    pltpu.sync_copy(pt_hbm, pt_v)

    def chunk(ci, carry):
        base = pl.multiple_of(row0 + ci * _CH, _CH)
        ib = pl.multiple_of(base // _IB, 8)
        cp_x = pltpu.async_copy(x_hbm.at[pl.ds(ib, _K)], xidx, sem_i)
        cp_p = pltpu.async_copy(p_hbm.at[pl.ds(base, _CH)], pidx_v, sem_i)
        cp_x.wait()
        cp_p.wait()
        ws = [pltpu.async_copy(wt_hbm.at[xidx.at[j]],
                               out_v.at[pl.ds(j * _IB, _IB)], sem_w)
              for j in range(_K)]
        for c in ws:
            c.wait()

        def tail_fill(g, carry2):
            prow = pidx_v[pl.ds(g * _L, _L)]
            for u in range(_L):
                r = g * _L + u
                wvec = out_v[r, pl.ds(_TC0, _L)]
                pvec = pt_v[prow[u], :]
                tail_v[r, :] = wvec + pvec
            return carry2

        lax.fori_loop(0, _CH // _L, tail_fill, 0)
        pltpu.sync_copy(out_v, out_hbm.at[pl.ds(base, _CH)])
        pltpu.sync_copy(tail_v, out_hbm.at[pl.ds(base, _CH), pl.ds(_TC0, _L)])
        return carry

    lax.fori_loop(0, _NCH, chunk, 0)


_emb = pl.kernel(
    _emb_body,
    out_type=jax.ShapeDtypeStruct((_N, _OD), jnp.float32),
    mesh=plsc.VectorSubcoreMesh(core_axis_name="c", subcore_axis_name="s"),
    scratch_types=[
        pltpu.VMEM((_K, _IB), jnp.int32),
        pltpu.VMEM((_CH,), jnp.int32),
        pltpu.VMEM((_CH, _OD), jnp.float32),
        pltpu.VMEM((_MAXLEN, _L), jnp.float32),
        pltpu.VMEM((_CH, _L), jnp.float32),
        pltpu.SemaphoreType.DMA,
        pltpu.SemaphoreType.DMA,
    ],
    compiler_params=pltpu.CompilerParams(use_tc_tiling_on_sc=False),
)


def kernel(x, pos, word_table, pos_table):
    wt64 = jnp.pad(word_table, ((0, 0), (0, _OD - _WD)))
    pt16 = jnp.pad(pos_table, ((0, 0), (_L - _PD, 0)))
    xf = x.reshape(_N // _IB, _IB)
    pf = pos.reshape(_N)
    out = _emb(xf, pf, wt64, pt16)
    return out.reshape(_B, _S, _OD)

# --- scband reference (transcript-rebuilt; emitter-appended) ---
"""Pipeline reference for scband-position-subspace-embedding-31155692765672 (READ-ONLY COPY).

The authoritative reference and input builder live on the scoring server;
editing this copy changes nothing except your own understanding.
"""

import jax, jax.numpy as jnp
import numpy as np

VOCAB = 1000000
EMB_DIM = 64
POS_DIM = 4
MAX_LEN = 200
BATCH = 4096
SEQ = 200

def setup_inputs(seed: int = 0) -> dict:
    key = jax.random.key(seed)
    k1, k2, k3, k4 = jax.random.split(key, 4)
    x = jax.random.randint(k1, (BATCH, SEQ), 0, VOCAB, dtype=jnp.int32)
    pos = jax.random.randint(k2, (BATCH, SEQ), 0, MAX_LEN, dtype=jnp.int32)
    word_table = jax.random.normal(k3, (VOCAB, EMB_DIM - POS_DIM), dtype=jnp.float32)
    pos_table = jax.random.normal(k4, (MAX_LEN, POS_DIM), dtype=jnp.float32)
    return {"x": x, "pos": pos, "word_table": word_table, "pos_table": pos_table}

def reference(x, pos, word_table, pos_table):
    # word embedding lookup: gather rows of the table
    embedded_word = jnp.take(word_table, x, axis=0)          # [B, S, EMB_DIM-POS_DIM]
    embedded_pos = jnp.take(pos_table, pos, axis=0)          # [B, S, POS_DIM]
    # dropout is identity at inference time
    return jnp.concatenate([embedded_word, embedded_pos], axis=2)

if __name__ == "__main__":
    import jax
    _d = setup_inputs()
    print(jax.jit(kernel)(*tuple(_d.values())))

</pallas_src>

<mosaic_0001>
#map = affine_map<(d0, d1) -> (0, 0)>
#map1 = affine_map<(d0, d1) -> (0)>
module attributes {stable_mosaic.version = 14 : i64} {
  func.func @_emb_body(%arg0: i32, %arg1: i32, %arg2: memref<6400x128xi32, #tpu.memory_space<hbm>>, %arg3: memref<819200xi32, #tpu.memory_space<hbm>>, %arg4: memref<1000000x64xf32, #tpu.memory_space<hbm>>, %arg5: memref<200x16xf32, #tpu.memory_space<hbm>>, %arg6: memref<819200x64xf32, #tpu.memory_space<hbm>>, %arg7: memref<8x128xi32, #tpu.memory_space<vmem>>, %arg8: memref<1024xi32, #tpu.memory_space<vmem>>, %arg9: memref<1024x64xf32, #tpu.memory_space<vmem>>, %arg10: memref<200x16xf32, #tpu.memory_space<vmem>>, %arg11: memref<1024x16xf32, #tpu.memory_space<vmem>>, %arg12: memref<!tpu.dma_semaphore, #tpu.memory_space<semaphore_mem>>, %arg13: memref<!tpu.dma_semaphore, #tpu.memory_space<semaphore_mem>>) attributes {dimension_semantics = [#tpu.dimension_semantics<core_parallel>, #tpu.dimension_semantics<subcore_parallel>], iteration_bounds = array<i64: 2, 16>, scalar_prefetch = 0 : i64, scratch_operands = 7 : i64, tpu.core_type = #tpu.core_type<sc_vector_subcore>, window_params = [{transform_indices = #map}, {transform_indices = #map1}, {transform_indices = #map}, {transform_indices = #map}, {transform_indices = #map}]} {
    %mul3A = arith.constant 2 : i32
    %mul3A_0 = arith.muli %arg1, %mul3A : i32
    %add3A = arith.addi %mul3A_0, %arg0 : i32
    %mul3A_1 = arith.constant 25600 : i32
    %mul3A_2 = arith.muli %add3A, %mul3A_1 : i32
    "tpu.region"() ({
      %run_scoped3A = tpu.sem_alloc : memref<!tpu.dma_semaphore, #tpu.memory_space<semaphore_mem>>
      tpu.enqueue_dma source(%arg5 : memref<200x16xf32, #tpu.memory_space<hbm>>) target(%arg10 : memref<200x16xf32, #tpu.memory_space<vmem>>) target_semaphore(%run_scoped3A : memref<!tpu.dma_semaphore, #tpu.memory_space<semaphore_mem>>)
      tpu.wait_dma2 semaphore(%run_scoped3A : memref<!tpu.dma_semaphore, #tpu.memory_space<semaphore_mem>>) src(%arg5 : memref<200x16xf32, #tpu.memory_space<hbm>>) dst(%arg10 : memref<200x16xf32, #tpu.memory_space<vmem>>)
      tpu.yield
    }) : () -> ()
    %scan3A = arith.constant 0 : i32
    %scan3A_3 = arith.constant 0 : i32
    %scan3A_4 = arith.constant 25 : i32
    %scan3A_5 = arith.addi %scan3A_3, %scan3A_4 : i32
    %scan3A_6 = arith.constant 1 : i32
    scf.for %scan3A_8 = %scan3A_3 to %scan3A_5 step %scan3A_6  : i32 {
      %mul3A_9 = arith.constant 1024 : i32
      %mul3A_10 = arith.muli %scan3A_8, %mul3A_9 : i32
      %add3A_11 = arith.addi %mul3A_2, %mul3A_10 : i32
      %multiple_of3A = tpu.assume_multiple %add3A_11, 1024 : i32
      %jit3A = arith.constant 128 : i32
      %div3A = arith.divsi %multiple_of3A, %jit3A : i32
      %sign3A = arith.constant 0 : i32
      %sign3A_12 = arith.cmpi sgt, %multiple_of3A, %sign3A : i32
      %sign3A_13 = arith.extui %sign3A_12 : i1 to i32
      %sign3A_14 = arith.constant 0 : i32
      %sign3A_15 = arith.cmpi slt, %multiple_of3A, %sign3A_14 : i32
      %sign3A_16 = arith.extui %sign3A_15 : i1 to i32
      %sign3A_17 = arith.subi %sign3A_13, %sign3A_16 : i32
      %sign3A_18 = arith.constant 0 : i32
      %sign3A_19 = arith.cmpi sgt, %jit3A, %sign3A_18 : i32
      %sign3A_20 = arith.extui %sign3A_19 : i1 to i32
      %sign3A_21 = arith.constant 0 : i32
      %sign3A_22 = arith.cmpi slt, %jit3A, %sign3A_21 : i32
      %sign3A_23 = arith.extui %sign3A_22 : i1 to i32
      %sign3A_24 = arith.subi %sign3A_20, %sign3A_23 : i32
      %ne3A = arith.cmpi ne, %sign3A_17, %sign3A_24 : i32
      %rem3A = arith.remsi %multiple_of3A, %jit3A : i32
      %ne3A_25 = arith.constant 0 : i32
      %ne3A_26 = arith.cmpi ne, %rem3A, %ne3A_25 : i32
      %and3A = arith.andi %ne3A, %ne3A_26 : i1
      %sub3A = arith.constant 1 : i32
      %sub3A_27 = arith.subi %div3A, %sub3A : i32
      %select_n3A = arith.select %and3A, %sub3A_27, %div3A : i32
      %multiple_of3A_28 = tpu.assume_multiple %select_n3A, 8 : i32
      %dma_start3A = arith.constant 0 : i32
      %dma_start3A_29 = tpu.memref_slice %arg2[%multiple_of3A_28, %dma_start3A] : memref<6400x128xi32, #tpu.memory_space<hbm>> -> memref<8x128xi32, #tpu.memory_space<hbm>>
      %dma_start3A_30 = arith.constant 0 : i32
      %dma_start3A_31 = tpu.memref_slice %arg2[%multiple_of3A_28, %dma_start3A_30] : memref<6400x128xi32, #tpu.memory_space<hbm>> -> memref<8x128xi32, #tpu.memory_space<hbm>>
      tpu.enqueue_dma source(%dma_start3A_31 : memref<8x128xi32, #tpu.memory_space<hbm>>) target(%arg7 : memref<8x128xi32, #tpu.memory_space<vmem>>) target_semaphore(%arg12 : memref<!tpu.dma_semaphore, #tpu.memory_space<semaphore_mem>>)
      %dma_start3A_32 = tpu.memref_slice %arg3[%multiple_of3A] : memref<819200xi32, #tpu.memory_space<hbm>> -> memref<1024xi32, #tpu.memory_space<hbm>>
      %dma_start3A_33 = tpu.memref_slice %arg3[%multiple_of3A] : memref<819200xi32, #tpu.memory_space<hbm>> -> memref<1024xi32, #tpu.memory_space<hbm>>
      tpu.enqueue_dma source(%dma_start3A_33 : memref<1024xi32, #tpu.memory_space<hbm>>) target(%arg8 : memref<1024xi32, #tpu.memory_space<vmem>>) target_semaphore(%arg12 : memref<!tpu.dma_semaphore, #tpu.memory_space<semaphore_mem>>)
      %dma_wait3A = arith.constant 0 : i32
      %dma_wait3A_34 = tpu.memref_slice %arg2[%multiple_of3A_28, %dma_wait3A] : memref<6400x128xi32, #tpu.memory_space<hbm>> -> memref<8x128xi32, #tpu.memory_space<hbm>>
      %dma_wait3A_35 = arith.constant 0 : i32
      %dma_wait3A_36 = tpu.memref_slice %arg2[%multiple_of3A_28, %dma_wait3A_35] : memref<6400x128xi32, #tpu.memory_space<hbm>> -> memref<8x128xi32, #tpu.memory_space<hbm>>
      tpu.wait_dma2 semaphore(%arg12 : memref<!tpu.dma_semaphore, #tpu.memory_space<semaphore_mem>>) src(%dma_wait3A_36 : memref<8x128xi32, #tpu.memory_space<hbm>>) dst(%arg7 : memref<8x128xi32, #tpu.memory_space<vmem>>)
      %dma_wait3A_37 = tpu.memref_slice %arg3[%multiple_of3A] : memref<819200xi32, #tpu.memory_space<hbm>> -> memref<1024xi32, #tpu.memory_space<hbm>>
      %dma_wait3A_38 = tpu.memref_slice %arg3[%multiple_of3A] : memref<819200xi32, #tpu.memory_space<hbm>> -> memref<1024xi32, #tpu.memory_space<hbm>>
      tpu.wait_dma2 semaphore(%arg12 : memref<!tpu.dma_semaphore, #tpu.memory_space<semaphore_mem>>) src(%dma_wait3A_38 : memref<1024xi32, #tpu.memory_space<hbm>>) dst(%arg8 : memref<1024xi32, #tpu.memory_space<vmem>>)
      %dma_start3A_39 = arith.constant 0 : i32
      %dma_start3A_40 = arith.constant 0 : i32
      %dma_start3A_41 = arith.constant 0 : i32
      %dma_start3A_42 = tpu.memref_slice %arg9[%dma_start3A_40, %dma_start3A_41] : memref<1024x64xf32, #tpu.memory_space<vmem>> -> memref<128x64xf32, #tpu.memory_space<vmem>>
      %dma_start3A_43 = arith.constant 0 : i32
      %dma_start3A_44 = tpu.memref_slice %arg7[%dma_start3A_39, %dma_start3A_43] : memref<8x128xi32, #tpu.memory_space<vmem>> -> memref<1x128xi32, #tpu.memory_space<vmem>>
      %dma_start3A_45 = tpu.memref_squeeze %dma_start3A_44 : memref<1x128xi32, #tpu.memory_space<vmem>> -> memref<128xi32, #tpu.memory_space<vmem>>
      %dma_start3A_46 = arith.constant 0 : i32
      %dma_start3A_47 = arith.constant 0 : i32
      %dma_start3A_48 = tpu.memref_slice %arg4[%dma_start3A_46, %dma_start3A_47] : memref<1000000x64xf32, #tpu.memory_space<hbm>> -> memref<1000000x64xf32, #tpu.memory_space<hbm>>
      tpu.enqueue_indirect_dma source(%dma_start3A_48 : memref<1000000x64xf32, #tpu.memory_space<hbm>>) target(%dma_start3A_42 : memref<128x64xf32, #tpu.memory_space<vmem>>) offsets(%dma_start3A_45 : memref<128xi32, #tpu.memory_space<vmem>>) semaphore(%arg13 : memref<!tpu.dma_semaphore, #tpu.memory_space<semaphore_mem>>)
      %dma_start3A_49 = arith.constant 1 : i32
      %dma_start3A_50 = arith.constant 128 : i32
      %dma_start3A_51 = arith.constant 0 : i32
      %dma_start3A_52 = tpu.memref_slice %arg9[%dma_start3A_50, %dma_start3A_51] : memref<1024x64xf32, #tpu.memory_space<vmem>> -> memref<128x64xf32, #tpu.memory_space<vmem>>
      %dma_start3A_53 = arith.constant 0 : i32
      %dma_start3A_54 = tpu.memref_slice %arg7[%dma_start3A_49, %dma_start3A_53] : memref<8x128xi32, #tpu.memory_space<vmem>> -> memref<1x128xi32, #tpu.memory_space<vmem>>
      %dma_start3A_55 = tpu.memref_squeeze %dma_start3A_54 : memref<1x128xi32, #tpu.memory_space<vmem>> -> memref<128xi32, #tpu.memory_space<vmem>>
      %dma_start3A_56 = arith.constant 0 : i32
      %dma_start3A_57 = arith.constant 0 : i32
      %dma_start3A_58 = tpu.memref_slice %arg4[%dma_start3A_56, %dma_start3A_57] : memref<1000000x64xf32, #tpu.memory_space<hbm>> -> memref<1000000x64xf32, #tpu.memory_space<hbm>>
      tpu.enqueue_indirect_dma source(%dma_start3A_58 : memref<1000000x64xf32, #tpu.memory_space<hbm>>) target(%dma_start3A_52 : memref<128x64xf32, #tpu.memory_space<vmem>>) offsets(%dma_start3A_55 : memref<128xi32, #tpu.memory_space<vmem>>) semaphore(%arg13 : memref<!tpu.dma_semaphore, #tpu.memory_space<semaphore_mem>>)
      %dma_start3A_59 = arith.constant 2 : i32
      %dma_start3A_60 = arith.constant 256 : i32
      %dma_start3A_61 = arith.constant 0 : i32
      %dma_start3A_62 = tpu.memref_slice %arg9[%dma_start3A_60, %dma_start3A_61] : memref<1024x64xf32, #tpu.memory_space<vmem>> -> memref<128x64xf32, #tpu.memory_space<vmem>>
      %dma_start3A_63 = arith.constant 0 : i32
      %dma_start3A_64 = tpu.memref_slice %arg7[%dma_start3A_59, %dma_start3A_63] : memref<8x128xi32, #tpu.memory_space<vmem>> -> memref<1x128xi32, #tpu.memory_space<vmem>>
      %dma_start3A_65 = tpu.memref_squeeze %dma_start3A_64 : memref<1x128xi32, #tpu.memory_space<vmem>> -> memref<128xi32, #tpu.memory_space<vmem>>
      %dma_start3A_66 = arith.constant 0 : i32
      %dma_start3A_67 = arith.constant 0 : i32
      %dma_start3A_68 = tpu.memref_slice %arg4[%dma_start3A_66, %dma_start3A_67] : memref<1000000x64xf32, #tpu.memory_space<hbm>> -> memref<1000000x64xf32, #tpu.memory_space<hbm>>
      tpu.enqueue_indirect_dma source(%dma_start3A_68 : memref<1000000x64xf32, #tpu.memory_space<hbm>>) target(%dma_start3A_62 : memref<128x64xf32, #tpu.memory_space<vmem>>) offsets(%dma_start3A_65 : memref<128xi32, #tpu.memory_space<vmem>>) semaphore(%arg13 : memref<!tpu.dma_semaphore, #tpu.memory_space<semaphore_mem>>)
      %dma_start3A_69 = arith.constant 3 : i32
      %dma_start3A_70 = arith.constant 384 : i32
      %dma_start3A_71 = arith.constant 0 : i32
      %dma_start3A_72 = tpu.memref_slice %arg9[%dma_start3A_70, %dma_start3A_71] : memref<1024x64xf32, #tpu.memory_space<vmem>> -> memref<128x64xf32, #tpu.memory_space<vmem>>
      %dma_start3A_73 = arith.constant 0 : i32
      %dma_start3A_74 = tpu.memref_slice %arg7[%dma_start3A_69, %dma_start3A_73] : memref<8x128xi32, #tpu.memory_space<vmem>> -> memref<1x128xi32, #tpu.memory_space<vmem>>
      %dma_start3A_75 = tpu.memref_squeeze %dma_start3A_74 : memref<1x128xi32, #tpu.memory_space<vmem>> -> memref<128xi32, #tpu.memory_space<vmem>>
      %dma_start3A_76 = arith.constant 0 : i32
      %dma_start3A_77 = arith.constant 0 : i32
      %dma_start3A_78 = tpu.memref_slice %arg4[%dma_start3A_76, %dma_start3A_77] : memref<1000000x64xf32, #tpu.memory_space<hbm>> -> memref<1000000x64xf32, #tpu.memory_space<hbm>>
      tpu.enqueue_indirect_dma source(%dma_start3A_78 : memref<1000000x64xf32, #tpu.memory_space<hbm>>) target(%dma_start3A_72 : memref<128x64xf32, #tpu.memory_space<vmem>>) offsets(%dma_start3A_75 : memref<128xi32, #tpu.memory_space<vmem>>) semaphore(%arg13 : memref<!tpu.dma_semaphore, #tpu.memory_space<semaphore_mem>>)
      %dma_start3A_79 = arith.constant 4 : i32
      %dma_start3A_80 = arith.constant 512 : i32
      %dma_start3A_81 = arith.constant 0 : i32
      %dma_start3A_82 = tpu.memref_slice %arg9[%dma_start3A_80, %dma_start3A_81] : memref<1024x64xf32, #tpu.memory_space<vmem>> -> memref<128x64xf32, #tpu.memory_space<vmem>>
      %dma_start3A_83 = arith.constant 0 : i32
      %dma_start3A_84 = tpu.memref_slice %arg7[%dma_start3A_79, %dma_start3A_83] : memref<8x128xi32, #tpu.memory_space<vmem>> -> memref<1x128xi32, #tpu.memory_space<vmem>>
      %dma_start3A_85 = tpu.memref_squeeze %dma_start3A_84 : memref<1x128xi32, #tpu.memory_space<vmem>> -> memref<128xi32, #tpu.memory_space<vmem>>
      %dma_start3A_86 = arith.constant 0 : i32
      %dma_start3A_87 = arith.constant 0 : i32
      %dma_start3A_88 = tpu.memref_slice %arg4[%dma_start3A_86, %dma_start3A_87] : memref<1000000x64xf32, #tpu.memory_space<hbm>> -> memref<1000000x64xf32, #tpu.memory_space<hbm>>
      tpu.enqueue_indirect_dma source(%dma_start3A_88 : memref<1000000x64xf32, #tpu.memory_space<hbm>>) target(%dma_start3A_82 : memref<128x64xf32, #tpu.memory_space<vmem>>) offsets(%dma_start3A_85 : memref<128xi32, #tpu.memory_space<vmem>>) semaphore(%arg13 : memref<!tpu.dma_semaphore, #tpu.memory_space<semaphore_mem>>)
      %dma_start3A_89 = arith.constant 5 : i32
      %dma_start3A_90 = arith.constant 640 : i32
      %dma_start3A_91 = arith.constant 0 : i32
      %dma_start3A_92 = tpu.memref_slice %arg9[%dma_start3A_90, %dma_start3A_91] : memref<1024x64xf32, #tpu.memory_space<vmem>> -> memref<128x64xf32, #tpu.memory_space<vmem>>
      %dma_start3A_93 = arith.constant 0 : i32
      %dma_start3A_94 = tpu.memref_slice %arg7[%dma_start3A_89, %dma_start3A_93] : memref<8x128xi32, #tpu.memory_space<vmem>> -> memref<1x128xi32, #tpu.memory_space<vmem>>
      %dma_start3A_95 = tpu.memref_squeeze %dma_start3A_94 : memref<1x128xi32, #tpu.memory_space<vmem>> -> memref<128xi32, #tpu.memory_space<vmem>>
      %dma_start3A_96 = arith.constant 0 : i32
      %dma_start3A_97 = arith.constant 0 : i32
      %dma_start3A_98 = tpu.memref_slice %arg4[%dma_start3A_96, %dma_start3A_97] : memref<1000000x64xf32, #tpu.memory_space<hbm>> -> memref<1000000x64xf32, #tpu.memory_space<hbm>>
      tpu.enqueue_indirect_dma source(%dma_start3A_98 : memref<1000000x64xf32, #tpu.memory_space<hbm>>) target(%dma_start3A_92 : memref<128x64xf32, #tpu.memory_space<vmem>>) offsets(%dma_start3A_95 : memref<128xi32, #tpu.memory_space<vmem>>) semaphore(%arg13 : memref<!tpu.dma_semaphore, #tpu.memory_space<semaphore_mem>>)
      %dma_start3A_99 = arith.constant 6 : i32
      %dma_start3A_100 = arith.constant 768 : i32
      %dma_start3A_101 = arith.constant 0 : i32
      %dma_start3A_102 = tpu.memref_slice %arg9[%dma_start3A_100, %dma_start3A_101] : memref<1024x64xf32, #tpu.memory_space<vmem>> -> memref<128x64xf32, #tpu.memory_space<vmem>>
      %dma_start3A_103 = arith.constant 0 : i32
      %dma_start3A_104 = tpu.memref_slice %arg7[%dma_start3A_99, %dma_start3A_103] : memref<8x128xi32, #tpu.memory_space<vmem>> -> memref<1x128xi32, #tpu.memory_space<vmem>>
      %dma_start3A_105 = tpu.memref_squeeze %dma_start3A_104 : memref<1x128xi32, #tpu.memory_space<vmem>> -> memref<128xi32, #tpu.memory_space<vmem>>
      %dma_start3A_106 = arith.constant 0 : i32
      %dma_start3A_107 = arith.constant 0 : i32
      %dma_start3A_108 = tpu.memref_slice %arg4[%dma_start3A_106, %dma_start3A_107] : memref<1000000x64xf32, #tpu.memory_space<hbm>> -> memref<1000000x64xf32, #tpu.memory_space<hbm>>
      tpu.enqueue_indirect_dma source(%dma_start3A_108 : memref<1000000x64xf32, #tpu.memory_space<hbm>>) target(%dma_start3A_102 : memref<128x64xf32, #tpu.memory_space<vmem>>) offsets(%dma_start3A_105 : memref<128xi32, #tpu.memory_space<vmem>>) semaphore(%arg13 : memref<!tpu.dma_semaphore, #tpu.memory_space<semaphore_mem>>)
      %dma_start3A_109 = arith.constant 7 : i32
      %dma_start3A_110 = arith.constant 896 : i32
      %dma_start3A_111 = arith.constant 0 : i32
      %dma_start3A_112 = tpu.memref_slice %arg9[%dma_start3A_110, %dma_start3A_111] : memref<1024x64xf32, #tpu.memory_space<vmem>> -> memref<128x64xf32, #tpu.memory_space<vmem>>
      %dma_start3A_113 = arith.constant 0 : i32
      %dma_start3A_114 = tpu.memref_slice %arg7[%dma_start3A_109, %dma_start3A_113] : memref<8x128xi32, #tpu.memory_space<vmem>> -> memref<1x128xi32, #tpu.memory_space<vmem>>
      %dma_start3A_115 = tpu.memref_squeeze %dma_start3A_114 : memref<1x128xi32, #tpu.memory_space<vmem>> -> memref<128xi32, #tpu.memory_space<vmem>>
      %dma_start3A_116 = arith.constant 0 : i32
      %dma_start3A_117 = arith.constant 0 : i32
      %dma_start3A_118 = tpu.memref_slice %arg4[%dma_start3A_116, %dma_start3A_117] : memref<1000000x64xf32, #tpu.memory_space<hbm>> -> memref<1000000x64xf32, #tpu.memory_space<hbm>>
      tpu.enqueue_indirect_dma source(%dma_start3A_118 : memref<1000000x64xf32, #tpu.memory_space<hbm>>) target(%dma_start3A_112 : memref<128x64xf32, #tpu.memory_space<vmem>>) offsets(%dma_start3A_115 : memref<128xi32, #tpu.memory_space<vmem>>) semaphore(%arg13 : memref<!tpu.dma_semaphore, #tpu.memory_space<semaphore_mem>>)
      %dma_wait3A_119 = arith.constant 0 : i32
      %dma_wait3A_120 = arith.constant 0 : i32
      %dma_wait3A_121 = arith.constant 0 : i32
      %dma_wait3A_122 = tpu.memref_slice %arg9[%dma_wait3A_120, %dma_wait3A_121] : memref<1024x64xf32, #tpu.memory_space<vmem>> -> memref<128x64xf32, #tpu.memory_space<vmem>>
      %dma_wait3A_123 = arith.constant 0 : i32
      %dma_wait3A_124 = tpu.memref_slice %arg7[%dma_wait3A_119, %dma_wait3A_123] : memref<8x128xi32, #tpu.memory_space<vmem>> -> memref<1x128xi32, #tpu.memory_space<vmem>>
      %dma_wait3A_125 = tpu.memref_squeeze %dma_wait3A_124 : memref<1x128xi32, #tpu.memory_space<vmem>> -> memref<128xi32, #tpu.memory_space<vmem>>
      %dma_wait3A_126 = arith.constant 0 : i32
      %dma_wait3A_127 = arith.constant 0 : i32
      %dma_wait3A_128 = tpu.memref_slice %arg4[%dma_wait3A_126, %dma_wait3A_127] : memref<1000000x64xf32, #tpu.memory_space<hbm>> -> memref<1000000x64xf32, #tpu.memory_space<hbm>>
      tpu.wait_indirect_dma semaphore(%arg13 : memref<!tpu.dma_semaphore, #tpu.memory_space<semaphore_mem>>) src(%dma_wait3A_128 : memref<1000000x64xf32, #tpu.memory_space<hbm>>) dst(%dma_wait3A_122 : memref<128x64xf32, #tpu.memory_space<vmem>>)
      %dma_wait3A_129 = arith.constant 1 : i32
      %dma_wait3A_130 = arith.constant 128 : i32
      %dma_wait3A_131 = arith.constant 0 : i32
      %dma_wait3A_132 = tpu.memref_slice %arg9[%dma_wait3A_130, %dma_wait3A_131] : memref<1024x64xf32, #tpu.memory_space<vmem>> -> memref<128x64xf32, #tpu.memory_space<vmem>>
      %dma_wait3A_133 = arith.constant 0 : i32
      %dma_wait3A_134 = tpu.memref_slice %arg7[%dma_wait3A_129, %dma_wait3A_133] : memref<8x128xi32, #tpu.memory_space<vmem>> -> memref<1x128xi32, #tpu.memory_space<vmem>>
      %dma_wait3A_135 = tpu.memref_squeeze %dma_wait3A_134 : memref<1x128xi32, #tpu.memory_space<vmem>> -> memref<128xi32, #tpu.memory_space<vmem>>
      %dma_wait3A_136 = arith.constant 0 : i32
      %dma_wait3A_137 = arith.constant 0 : i32
      %dma_wait3A_138 = tpu.memref_slice %arg4[%dma_wait3A_136, %dma_wait3A_137] : memref<1000000x64xf32, #tpu.memory_space<hbm>> -> memref<1000000x64xf32, #tpu.memory_space<hbm>>
      tpu.wait_indirect_dma semaphore(%arg13 : memref<!tpu.dma_semaphore, #tpu.memory_space<semaphore_mem>>) src(%dma_wait3A_138 : memref<1000000x64xf32, #tpu.memory_space<hbm>>) dst(%dma_wait3A_132 : memref<128x64xf32, #tpu.memory_space<vmem>>)
      %dma_wait3A_139 = arith.constant 2 : i32
      %dma_wait3A_140 = arith.constant 256 : i32
      %dma_wait3A_141 = arith.constant 0 : i32
      %dma_wait3A_142 = tpu.memref_slice %arg9[%dma_wait3A_140, %dma_wait3A_141] : memref<1024x64xf32, #tpu.memory_space<vmem>> -> memref<128x64xf32, #tpu.memory_space<vmem>>
      %dma_wait3A_143 = arith.constant 0 : i32
      %dma_wait3A_144 = tpu.memref_slice %arg7[%dma_wait3A_139, %dma_wait3A_143] : memref<8x128xi32, #tpu.memory_space<vmem>> -> memref<1x128xi32, #tpu.memory_space<vmem>>
      %dma_wait3A_145 = tpu.memref_squeeze %dma_wait3A_144 : memref<1x128xi32, #tpu.memory_space<vmem>> -> memref<128xi32, #tpu.memory_space<vmem>>
      %dma_wait3A_146 = arith.constant 0 : i32
      %dma_wait3A_147 = arith.constant 0 : i32
      %dma_wait3A_148 = tpu.memref_slice %arg4[%dma_wait3A_146, %dma_wait3A_147] : memref<1000000x64xf32, #tpu.memory_space<hbm>> -> memref<1000000x64xf32, #tpu.memory_space<hbm>>
      tpu.wait_indirect_dma semaphore(%arg13 : memref<!tpu.dma_semaphore, #tpu.memory_space<semaphore_mem>>) src(%dma_wait3A_148 : memref<1000000x64xf32, #tpu.memory_space<hbm>>) dst(%dma_wait3A_142 : memref<128x64xf32, #tpu.memory_space<vmem>>)
      %dma_wait3A_149 = arith.constant 3 : i32
      %dma_wait3A_150 = arith.constant 384 : i32
      %dma_wait3A_151 = arith.constant 0 : i32
      %dma_wait3A_152 = tpu.memref_slice %arg9[%dma_wait3A_150, %dma_wait3A_151] : memref<1024x64xf32, #tpu.memory_space<vmem>> -> memref<128x64xf32, #tpu.memory_space<vmem>>
      %dma_wait3A_153 = arith.constant 0 : i32
      %dma_wait3A_154 = tpu.memref_slice %arg7[%dma_wait3A_149, %dma_wait3A_153] : memref<8x128xi32, #tpu.memory_space<vmem>> -> memref<1x128xi32, #tpu.memory_space<vmem>>
      %dma_wait3A_155 = tpu.memref_squeeze %dma_wait3A_154 : memref<1x128xi32, #tpu.memory_space<vmem>> -> memref<128xi32, #tpu.memory_space<vmem>>
      %dma_wait3A_156 = arith.constant 0 : i32
      %dma_wait3A_157 = arith.constant 0 : i32
      %dma_wait3A_158 = tpu.memref_slice %arg4[%dma_wait3A_156, %dma_wait3A_157] : memref<1000000x64xf32, #tpu.memory_space<hbm>> -> memref<1000000x64xf32, #tpu.memory_space<hbm>>
      tpu.wait_indirect_dma semaphore(%arg13 : memref<!tpu.dma_semaphore, #tpu.memory_space<semaphore_mem>>) src(%dma_wait3A_158 : memref<1000000x64xf32, #tpu.memory_space<hbm>>) dst(%dma_wait3A_152 : memref<128x64xf32, #tpu.memory_space<vmem>>)
      %dma_wait3A_159 = arith.constant 4 : i32
      %dma_wait3A_160 = arith.constant 512 : i32
      %dma_wait3A_161 = arith.constant 0 : i32
      %dma_wait3A_162 = tpu.memref_slice %arg9[%dma_wait3A_160, %dma_wait3A_161] : memref<1024x64xf32, #tpu.memory_space<vmem>> -> memref<128x64xf32, #tpu.memory_space<vmem>>
      %dma_wait3A_163 = arith.constant 0 : i32
      %dma_wait3A_164 = tpu.memref_slice %arg7[%dma_wait3A_159, %dma_wait3A_163] : memref<8x128xi32, #tpu.memory_space<vmem>> -> memref<1x128xi32, #tpu.memory_space<vmem>>
      %dma_wait3A_165 = tpu.memref_squeeze %dma_wait3A_164 : memref<1x128xi32, #tpu.memory_space<vmem>> -> memref<128xi32, #tpu.memory_space<vmem>>
      %dma_wait3A_166 = arith.constant 0 : i32
      %dma_wait3A_167 = arith.constant 0 : i32
      %dma_wait3A_168 = tpu.memref_slice %arg4[%dma_wait3A_166, %dma_wait3A_167] : memref<1000000x64xf32, #tpu.memory_space<hbm>> -> memref<1000000x64xf32, #tpu.memory_space<hbm>>
      tpu.wait_indirect_dma semaphore(%arg13 : memref<!tpu.dma_semaphore, #tpu.memory_space<semaphore_mem>>) src(%dma_wait3A_168 : memref<1000000x64xf32, #tpu.memory_space<hbm>>) dst(%dma_wait3A_162 : memref<128x64xf32, #tpu.memory_space<vmem>>)
      %dma_wait3A_169 = arith.constant 5 : i32
      %dma_wait3A_170 = arith.constant 640 : i32
      %dma_wait3A_171 = arith.constant 0 : i32
      %dma_wait3A_172 = tpu.memref_slice %arg9[%dma_wait3A_170, %dma_wait3A_171] : memref<1024x64xf32, #tpu.memory_space<vmem>> -> memref<128x64xf32, #tpu.memory_space<vmem>>
      %dma_wait3A_173 = arith.constant 0 : i32
      %dma_wait3A_174 = tpu.memref_slice %arg7[%dma_wait3A_169, %dma_wait3A_173] : memref<8x128xi32, #tpu.memory_space<vmem>> -> memref<1x128xi32, #tpu.memory_space<vmem>>
      %dma_wait3A_175 = tpu.memref_squeeze %dma_wait3A_174 : memref<1x128xi32, #tpu.memory_space<vmem>> -> memref<128xi32, #tpu.memory_space<vmem>>
      %dma_wait3A_176 = arith.constant 0 : i32
      %dma_wait3A_177 = arith.constant 0 : i32
      %dma_wait3A_178 = tpu.memref_slice %arg4[%dma_wait3A_176, %dma_wait3A_177] : memref<1000000x64xf32, #tpu.memory_space<hbm>> -> memref<1000000x64xf32, #tpu.memory_space<hbm>>
      tpu.wait_indirect_dma semaphore(%arg13 : memref<!tpu.dma_semaphore, #tpu.memory_space<semaphore_mem>>) src(%dma_wait3A_178 : memref<1000000x64xf32, #tpu.memory_space<hbm>>) dst(%dma_wait3A_172 : memref<128x64xf32, #tpu.memory_space<vmem>>)
      %dma_wait3A_179 = arith.constant 6 : i32
      %dma_wait3A_180 = arith.constant 768 : i32
      %dma_wait3A_181 = arith.constant 0 : i32
      %dma_wait3A_182 = tpu.memref_slice %arg9[%dma_wait3A_180, %dma_wait3A_181] : memref<1024x64xf32, #tpu.memory_space<vmem>> -> memref<128x64xf32, #tpu.memory_space<vmem>>
      %dma_wait3A_183 = arith.constant 0 : i32
      %dma_wait3A_184 = tpu.memref_slice %arg7[%dma_wait3A_179, %dma_wait3A_183] : memref<8x128xi32, #tpu.memory_space<vmem>> -> memref<1x128xi32, #tpu.memory_space<vmem>>
      %dma_wait3A_185 = tpu.memref_squeeze %dma_wait3A_184 : memref<1x128xi32, #tpu.memory_space<vmem>> -> memref<128xi32, #tpu.memory_space<vmem>>
      %dma_wait3A_186 = arith.constant 0 : i32
      %dma_wait3A_187 = arith.constant 0 : i32
      %dma_wait3A_188 = tpu.memref_slice %arg4[%dma_wait3A_186, %dma_wait3A_187] : memref<1000000x64xf32, #tpu.memory_space<hbm>> -> memref<1000000x64xf32, #tpu.memory_space<hbm>>
      tpu.wait_indirect_dma semaphore(%arg13 : memref<!tpu.dma_semaphore, #tpu.memory_space<semaphore_mem>>) src(%dma_wait3A_188 : memref<1000000x64xf32, #tpu.memory_space<hbm>>) dst(%dma_wait3A_182 : memref<128x64xf32, #tpu.memory_space<vmem>>)
      %dma_wait3A_189 = arith.constant 7 : i32
      %dma_wait3A_190 = arith.constant 896 : i32
      %dma_wait3A_191 = arith.constant 0 : i32
      %dma_wait3A_192 = tpu.memref_slice %arg9[%dma_wait3A_190, %dma_wait3A_191] : memref<1024x64xf32, #tpu.memory_space<vmem>> -> memref<128x64xf32, #tpu.memory_space<vmem>>
      %dma_wait3A_193 = arith.constant 0 : i32
      %dma_wait3A_194 = tpu.memref_slice %arg7[%dma_wait3A_189, %dma_wait3A_193] : memref<8x128xi32, #tpu.memory_space<vmem>> -> memref<1x128xi32, #tpu.memory_space<vmem>>
      %dma_wait3A_195 = tpu.memref_squeeze %dma_wait3A_194 : memref<1x128xi32, #tpu.memory_space<vmem>> -> memref<128xi32, #tpu.memory_space<vmem>>
      %dma_wait3A_196 = arith.constant 0 : i32
      %dma_wait3A_197 = arith.constant 0 : i32
      %dma_wait3A_198 = tpu.memref_slice %arg4[%dma_wait3A_196, %dma_wait3A_197] : memref<1000000x64xf32, #tpu.memory_space<hbm>> -> memref<1000000x64xf32, #tpu.memory_space<hbm>>
      tpu.wait_indirect_dma semaphore(%arg13 : memref<!tpu.dma_semaphore, #tpu.memory_space<semaphore_mem>>) src(%dma_wait3A_198 : memref<1000000x64xf32, #tpu.memory_space<hbm>>) dst(%dma_wait3A_192 : memref<128x64xf32, #tpu.memory_space<vmem>>)
      %scan3A_199 = arith.constant 0 : i32
      %scan3A_200 = arith.constant 0 : i32
      %scan3A_201 = arith.constant 64 : i32
      %scan3A_202 = arith.addi %scan3A_200, %scan3A_201 : i32
      %scan3A_203 = arith.constant 1 : i32
      scf.for %scan3A_205 = %scan3A_200 to %scan3A_202 step %scan3A_203  : i32 {
        %mul3A_206 = arith.constant 16 : i32
        %mul3A_207 = arith.muli %scan3A_205, %mul3A_206 : i32
        %get3A = arith.index_cast %mul3A_207 : i32 to index
        %get3A_208 = tpu.vector_load %arg8[%get3A] {strides = array<i32>} : memref<1024xi32, #tpu.memory_space<vmem>>, vector<16xi32>,
        %get3A_209 = vector.shape_cast %get3A_208 : vector<16xi32> to vector<16xi32>
        %mul3A_210 = arith.constant 16 : i32
        %mul3A_211 = arith.muli %scan3A_205, %mul3A_210 : i32
        %add3A_212 = arith.constant 0 : i32
        %add3A_213 = arith.addi %mul3A_211, %add3A_212 : i32
        %get3A_214 = arith.index_cast %add3A_213 : i32 to index
        %get3A_215 = arith.constant 48 : index
        %get3A_216 = tpu.vector_load %arg9[%get3A_214, %get3A_215] {strides = array<i32>} : memref<1024x64xf32, #tpu.memory_space<vmem>>, vector<1x16xf32>,
        %get3A_217 = vector.shape_cast %get3A_216 : vector<1x16xf32> to vector<16xf32>
        %slice3A = vector.extract_strided_slice %get3A_209 {offsets = [0], sizes = [1], strides = [1]} : vector<16xi32> to vector<1xi32>
        %squeeze3A = vector.extract %slice3A[0] : i32 from vector<1xi32>
        %get3A_218 = arith.index_cast %squeeze3A : i32 to index
        %get3A_219 = arith.constant 0 : index
        %get3A_220 = tpu.vector_load %arg10[%get3A_218, %get3A_219] {strides = array<i32>} : memref<200x16xf32, #tpu.memory_space<vmem>>, vector<1x16xf32>,
        %get3A_221 = vector.shape_cast %get3A_220 : vector<1x16xf32> to vector<16xf32>
        %add3A_222 = arith.addf %get3A_217, %get3A_221 : vector<16xf32>
        %swap3A = arith.index_cast %add3A_213 : i32 to index
        %swap3A_223 = arith.constant 0 : index
        %swap3A_224 = tpu.vector_load %arg11[%swap3A, %swap3A_223] {strides = array<i32>} : memref<1024x16xf32, #tpu.memory_space<vmem>>, vector<1x16xf32>,
        %swap3A_225 = vector.shape_cast %swap3A_224 : vector<1x16xf32> to vector<16xf32>
        %swap3A_226 = vector.shape_cast %add3A_222 : vector<16xf32> to vector<1x16xf32>
        tpu.vector_store %arg11[%swap3A, %swap3A_223], %swap3A_226 {strides = array<i32>} : memref<1024x16xf32, #tpu.memory_space<vmem>>, vector<1x16xf32>,
        %mul3A_227 = arith.constant 16 : i32
        %mul3A_228 = arith.muli %scan3A_205, %mul3A_227 : i32
        %add3A_229 = arith.constant 1 : i32
        %add3A_230 = arith.addi %mul3A_228, %add3A_229 : i32
        %get3A_231 = arith.index_cast %add3A_230 : i32 to index
        %get3A_232 = arith.constant 48 : index
        %get3A_233 = tpu.vector_load %arg9[%get3A_231, %get3A_232] {strides = array<i32>} : memref<1024x64xf32, #tpu.memory_space<vmem>>, vector<1x16xf32>,
        %get3A_234 = vector.shape_cast %get3A_233 : vector<1x16xf32> to vector<16xf32>
        %slice3A_235 = vector.extract_strided_slice %get3A_209 {offsets = [1], sizes = [1], strides = [1]} : vector<16xi32> to vector<1xi32>
        %squeeze3A_236 = vector.extract %slice3A_235[0] : i32 from vector<1xi32>
        %get3A_237 = arith.index_cast %squeeze3A_236 : i32 to index
        %get3A_238 = arith.constant 0 : index
        %get3A_239 = tpu.vector_load %arg10[%get3A_237, %get3A_238] {strides = array<i32>} : memref<200x16xf32, #tpu.memory_space<vmem>>, vector<1x16xf32>,
        %get3A_240 = vector.shape_cast %get3A_239 : vector<1x16xf32> to vector<16xf32>
        %add3A_241 = arith.addf %get3A_234, %get3A_240 : vector<16xf32>
        %swap3A_242 = arith.index_cast %add3A_230 : i32 to index
        %swap3A_243 = arith.constant 0 : index
        %swap3A_244 = tpu.vector_load %arg11[%swap3A_242, %swap3A_243] {strides = array<i32>} : memref<1024x16xf32, #tpu.memory_space<vmem>>, vector<1x16xf32>,
        %swap3A_245 = vector.shape_cast %swap3A_244 : vector<1x16xf32> to vector<16xf32>
        %swap3A_246 = vector.shape_cast %add3A_241 : vector<16xf32> to vector<1x16xf32>
        tpu.vector_store %arg11[%swap3A_242, %swap3A_243], %swap3A_246 {strides = array<i32>} : memref<1024x16xf32, #tpu.memory_space<vmem>>, vector<1x16xf32>,
        %mul3A_247 = arith.constant 16 : i32
        %mul3A_248 = arith.muli %scan3A_205, %mul3A_247 : i32
        %add3A_249 = arith.constant 2 : i32
        %add3A_250 = arith.addi %mul3A_248, %add3A_249 : i32
        %get3A_251 = arith.index_cast %add3A_250 : i32 to index
        %get3A_252 = arith.constant 48 : index
        %get3A_253 = tpu.vector_load %arg9[%get3A_251, %get3A_252] {strides = array<i32>} : memref<1024x64xf32, #tpu.memory_space<vmem>>, vector<1x16xf32>,
        %get3A_254 = vector.shape_cast %get3A_253 : vector<1x16xf32> to vector<16xf32>
        %slice3A_255 = vector.extract_strided_slice %get3A_209 {offsets = [2], sizes = [1], strides = [1]} : vector<16xi32> to vector<1xi32>
        %squeeze3A_256 = vector.extract %slice3A_255[0] : i32 from vector<1xi32>
        %get3A_257 = arith.index_cast %squeeze3A_256 : i32 to index
        %get3A_258 = arith.constant 0 : index
        %get3A_259 = tpu.vector_load %arg10[%get3A_257, %get3A_258] {strides = array<i32>} : memref<200x16xf32, #tpu.memory_space<vmem>>, vector<1x16xf32>,
        %get3A_260 = vector.shape_cast %get3A_259 : vector<1x16xf32> to vector<16xf32>
        %add3A_261 = arith.addf %get3A_254, %get3A_260 : vector<16xf32>
        %swap3A_262 = arith.index_cast %add3A_250 : i32 to index
        %swap3A_263 = arith.constant 0 : index
        %swap3A_264 = tpu.vector_load %arg11[%swap3A_262, %swap3A_263] {strides = array<i32>} : memref<1024x16xf32, #tpu.memory_space<vmem>>, vector<1x16xf32>,
        %swap3A_265 = vector.shape_cast %swap3A_264 : vector<1x16xf32> to vector<16xf32>
        %swap3A_266 = vector.shape_cast %add3A_261 : vector<16xf32> to vector<1x16xf32>
        tpu.vector_store %arg11[%swap3A_262, %swap3A_263], %swap3A_266 {strides = array<i32>} : memref<1024x16xf32, #tpu.memory_space<vmem>>, vector<1x16xf32>,
        %mul3A_267 = arith.constant 16 : i32
        %mul3A_268 = arith.muli %scan3A_205, %mul3A_267 : i32
        %add3A_269 = arith.constant 3 : i32
        %add3A_270 = arith.addi %mul3A_268, %add3A_269 : i32
        %get3A_271 = arith.index_cast %add3A_270 : i32 to index
        %get3A_272 = arith.constant 48 : index
        %get3A_273 = tpu.vector_load %arg9[%get3A_271, %get3A_272] {strides = array<i32>} : memref<1024x64xf32, #tpu.memory_space<vmem>>, vector<1x16xf32>,
        %get3A_274 = vector.shape_cast %get3A_273 : vector<1x16xf32> to vector<16xf32>
        %slice3A_275 = vector.extract_strided_slice %get3A_209 {offsets = [3], sizes = [1], strides = [1]} : vector<16xi32> to vector<1xi32>
        %squeeze3A_276 = vector.extract %slice3A_275[0] : i32 from vector<1xi32>
        %get3A_277 = arith.index_cast %squeeze3A_276 : i32 to index
        %get3A_278 = arith.constant 0 : index
        %get3A_279 = tpu.vector_load %arg10[%get3A_277, %get3A_278] {strides = array<i32>} : memref<200x16xf32, #tpu.memory_space<vmem>>, vector<1x16xf32>,
        %get3A_280 = vector.shape_cast %get3A_279 : vector<1x16xf32> to vector<16xf32>
        %add3A_281 = arith.addf %get3A_274, %get3A_280 : vector<16xf32>
        %swap3A_282 = arith.index_cast %add3A_270 : i32 to index
        %swap3A_283 = arith.constant 0 : index
        %swap3A_284 = tpu.vector_load %arg11[%swap3A_282, %swap3A_283] {strides = array<i32>} : memref<1024x16xf32, #tpu.memory_space<vmem>>, vector<1x16xf32>,
        %swap3A_285 = vector.shape_cast %swap3A_284 : vector<1x16xf32> to vector<16xf32>
        %swap3A_286 = vector.shape_cast %add3A_281 : vector<16xf32> to vector<1x16xf32>
        tpu.vector_store %arg11[%swap3A_282, %swap3A_283], %swap3A_286 {strides = array<i32>} : memref<1024x16xf32, #tpu.memory_space<vmem>>, vector<1x16xf32>,
        %mul3A_287 = arith.constant 16 : i32
        %mul3A_288 = arith.muli %scan3A_205, %mul3A_287 : i32
        %add3A_289 = arith.constant 4 : i32
        %add3A_290 = arith.addi %mul3A_288, %add3A_289 : i32
        %get3A_291 = arith.index_cast %add3A_290 : i32 to index
        %get3A_292 = arith.constant 48 : index
        %get3A_293 = tpu.vector_load %arg9[%get3A_291, %get3A_292] {strides = array<i32>} : memref<1024x64xf32, #tpu.memory_space<vmem>>, vector<1x16xf32>,
        %get3A_294 = vector.shape_cast %get3A_293 : vector<1x16xf32> to vector<16xf32>
        %slice3A_295 = vector.extract_strided_slice %get3A_209 {offsets = [4], sizes = [1], strides = [1]} : vector<16xi32> to vector<1xi32>
        %squeeze3A_296 = vector.extract %slice3A_295[0] : i32 from vector<1xi32>
        %get3A_297 = arith.index_cast %squeeze3A_296 : i32 to index
        %get3A_298 = arith.constant 0 : index
        %get3A_299 = tpu.vector_load %arg10[%get3A_297, %get3A_298] {strides = array<i32>} : memref<200x16xf32, #tpu.memory_space<vmem>>, vector<1x16xf32>,
        %get3A_300 = vector.shape_cast %get3A_299 : vector<1x16xf32> to vector<16xf32>
        %add3A_301 = arith.addf %get3A_294, %get3A_300 : vector<16xf32>
        %swap3A_302 = arith.index_cast %add3A_290 : i32 to index
        %swap3A_303 = arith.constant 0 : index
        %swap3A_304 = tpu.vector_load %arg11[%swap3A_302, %swap3A_303] {strides = array<i32>} : memref<1024x16xf32, #tpu.memory_space<vmem>>, vector<1x16xf32>,
        %swap3A_305 = vector.shape_cast %swap3A_304 : vector<1x16xf32> to vector<16xf32>
        %swap3A_306 = vector.shape_cast %add3A_301 : vector<16xf32> to vector<1x16xf32>
        tpu.vector_store %arg11[%swap3A_302, %swap3A_303], %swap3A_306 {strides = array<i32>} : memref<1024x16xf32, #tpu.memory_space<vmem>>, vector<1x16xf32>,
        %mul3A_307 = arith.constant 16 : i32
        %mul3A_308 = arith.muli %scan3A_205, %mul3A_307 : i32
        %add3A_309 = arith.constant 5 : i32
        %add3A_310 = arith.addi %mul3A_308, %add3A_309 : i32
        %get3A_311 = arith.index_cast %add3A_310 : i32 to index
        %get3A_312 = arith.constant 48 : index
        %get3A_313 = tpu.vector_load %arg9[%get3A_311, %get3A_312] {strides = array<i32>} : memref<1024x64xf32, #tpu.memory_space<vmem>>, vector<1x16xf32>,
        %get3A_314 = vector.shape_cast %get3A_313 : vector<1x16xf32> to vector<16xf32>
        %slice3A_315 = vector.extract_strided_slice %get3A_209 {offsets = [5], sizes = [1], strides = [1]} : vector<16xi32> to vector<1xi32>
        %squeeze3A_316 = vector.extract %slice3A_315[0] : i32 from vector<1xi32>
        %get3A_317 = arith.index_cast %squeeze3A_316 : i32 to index
        %get3A_318 = arith.constant 0 : index
        %get3A_319 = tpu.vector_load %arg10[%get3A_317, %get3A_318] {strides = array<i32>} : memref<200x16xf32, #tpu.memory_space<vmem>>, vector<1x16xf32>,
        %get3A_320 = vector.shape_cast %get3A_319 : vector<1x16xf32> to vector<16xf32>
        %add3A_321 = arith.addf %get3A_314, %get3A_320 : vector<16xf32>
        %swap3A_322 = arith.index_cast %add3A_310 : i32 to index
        %swap3A_323 = arith.constant 0 : index
        %swap3A_324 = tpu.vector_load %arg11[%swap3A_322, %swap3A_323] {strides = array<i32>} : memref<1024x16xf32, #tpu.memory_space<vmem>>, vector<1x16xf32>,
        %swap3A_325 = vector.shape_cast %swap3A_324 : vector<1x16xf32> to vector<16xf32>
        %swap3A_326 = vector.shape_cast %add3A_321 : vector<16xf32> to vector<1x16xf32>
        tpu.vector_store %arg11[%swap3A_322, %swap3A_323], %swap3A_326 {strides = array<i32>} : memref<1024x16xf32, #tpu.memory_space<vmem>>, vector<1x16xf32>,
        %mul3A_327 = arith.constant 16 : i32
        %mul3A_328 = arith.muli %scan3A_205, %mul3A_327 : i32
        %add3A_329 = arith.constant 6 : i32
        %add3A_330 = arith.addi %mul3A_328, %add3A_329 : i32
        %get3A_331 = arith.index_cast %add3A_330 : i32 to index
        %get3A_332 = arith.constant 48 : index
        %get3A_333 = tpu.vector_load %arg9[%get3A_331, %get3A_332] {strides = array<i32>} : memref<1024x64xf32, #tpu.memory_space<vmem>>, vector<1x16xf32>,
        %get3A_334 = vector.shape_cast %get3A_333 : vector<1x16xf32> to vector<16xf32>
        %slice3A_335 = vector.extract_strided_slice %get3A_209 {offsets = [6], sizes = [1], strides = [1]} : vector<16xi32> to vector<1xi32>
        %squeeze3A_336 = vector.extract %slice3A_335[0] : i32 from vector<1xi32>
        %get3A_337 = arith.index_cast %squeeze3A_336 : i32 to index
        %get3A_338 = arith.constant 0 : index
        %get3A_339 = tpu.vector_load %arg10[%get3A_337, %get3A_338] {strides = array<i32>} : memref<200x16xf32, #tpu.memory_space<vmem>>, vector<1x16xf32>,
        %get3A_340 = vector.shape_cast %get3A_339 : vector<1x16xf32> to vector<16xf32>
        %add3A_341 = arith.addf %get3A_334, %get3A_340 : vector<16xf32>
        %swap3A_342 = arith.index_cast %add3A_330 : i32 to index
        %swap3A_343 = arith.constant 0 : index
        %swap3A_344 = tpu.vector_load %arg11[%swap3A_342, %swap3A_343] {strides = array<i32>} : memref<1024x16xf32, #tpu.memory_space<vmem>>, vector<1x16xf32>,
        %swap3A_345 = vector.shape_cast %swap3A_344 : vector<1x16xf32> to vector<16xf32>
        %swap3A_346 = vector.shape_cast %add3A_341 : vector<16xf32> to vector<1x16xf32>
        tpu.vector_store %arg11[%swap3A_342, %swap3A_343], %swap3A_346 {strides = array<i32>} : memref<1024x16xf32, #tpu.memory_space<vmem>>, vector<1x16xf32>,
        %mul3A_347 = arith.constant 16 : i32
        %mul3A_348 = arith.muli %scan3A_205, %mul3A_347 : i32
        %add3A_349 = arith.constant 7 : i32
        %add3A_350 = arith.addi %mul3A_348, %add3A_349 : i32
        %get3A_351 = arith.index_cast %add3A_350 : i32 to index
        %get3A_352 = arith.constant 48 : index
        %get3A_353 = tpu.vector_load %arg9[%get3A_351, %get3A_352] {strides = array<i32>} : memref<1024x64xf32, #tpu.memory_space<vmem>>, vector<1x16xf32>,
        %get3A_354 = vector.shape_cast %get3A_353 : vector<1x16xf32> to vector<16xf32>
        %slice3A_355 = vector.extract_strided_slice %get3A_209 {offsets = [7], sizes = [1], strides = [1]} : vector<16xi32> to vector<1xi32>
        %squeeze3A_356 = vector.extract %slice3A_355[0] : i32 from vector<1xi32>
        %get3A_357 = arith.index_cast %squeeze3A_356 : i32 to index
        %get3A_358 = arith.constant 0 : index
        %get3A_359 = tpu.vector_load %arg10[%get3A_357, %get3A_358] {strides = array<i32>} : memref<200x16xf32, #tpu.memory_space<vmem>>, vector<1x16xf32>,
        %get3A_360 = vector.shape_cast %get3A_359 : vector<1x16xf32> to vector<16xf32>
        %add3A_361 = arith.addf %get3A_354, %get3A_360 : vector<16xf32>
        %swap3A_362 = arith.index_cast %add3A_350 : i32 to index
        %swap3A_363 = arith.constant 0 : index
        %swap3A_364 = tpu.vector_load %arg11[%swap3A_362, %swap3A_363] {strides = array<i32>} : memref<1024x16xf32, #tpu.memory_space<vmem>>, vector<1x16xf32>,
        %swap3A_365 = vector.shape_cast %swap3A_364 : vector<1x16xf32> to vector<16xf32>
        %swap3A_366 = vector.shape_cast %add3A_361 : vector<16xf32> to vector<1x16xf32>
        tpu.vector_store %arg11[%swap3A_362, %swap3A_363], %swap3A_366 {strides = array<i32>} : memref<1024x16xf32, #tpu.memory_space<vmem>>, vector<1x16xf32>,
        %mul3A_367 = arith.constant 16 : i32
        %mul3A_368 = arith.muli %scan3A_205, %mul3A_367 : i32
        %add3A_369 = arith.constant 8 : i32
        %add3A_370 = arith.addi %mul3A_368, %add3A_369 : i32
        %get3A_371 = arith.index_cast %add3A_370 : i32 to index
        %get3A_372 = arith.constant 48 : index
        %get3A_373 = tpu.vector_load %arg9[%get3A_371, %get3A_372] {strides = array<i32>} : memref<1024x64xf32, #tpu.memory_space<vmem>>, vector<1x16xf32>,
        %get3A_374 = vector.shape_cast %get3A_373 : vector<1x16xf32> to vector<16xf32>
        %slice3A_375 = vector.extract_strided_slice %get3A_209 {offsets = [8], sizes = [1], strides = [1]} : vector<16xi32> to vector<1xi32>
        %squeeze3A_376 = vector.extract %slice3A_375[0] : i32 from vector<1xi32>
        %get3A_377 = arith.index_cast %squeeze3A_376 : i32 to index
        %get3A_378 = arith.constant 0 : index
        %get3A_379 = tpu.vector_load %arg10[%get3A_377, %get3A_378] {strides = array<i32>} : memref<200x16xf32, #tpu.memory_space<vmem>>, vector<1x16xf32>,
        %get3A_380 = vector.shape_cast %get3A_379 : vector<1x16xf32> to vector<16xf32>
        %add3A_381 = arith.addf %get3A_374, %get3A_380 : vector<16xf32>
        %swap3A_382 = arith.index_cast %add3A_370 : i32 to index
        %swap3A_383 = arith.constant 0 : index
        %swap3A_384 = tpu.vector_load %arg11[%swap3A_382, %swap3A_383] {strides = array<i32>} : memref<1024x16xf32, #tpu.memory_space<vmem>>, vector<1x16xf32>,
        %swap3A_385 = vector.shape_cast %swap3A_384 : vector<1x16xf32> to vector<16xf32>
        %swap3A_386 = vector.shape_cast %add3A_381 : vector<16xf32> to vector<1x16xf32>
        tpu.vector_store %arg11[%swap3A_382, %swap3A_383], %swap3A_386 {strides = array<i32>} : memref<1024x16xf32, #tpu.memory_space<vmem>>, vector<1x16xf32>,
        %mul3A_387 = arith.constant 16 : i32
        %mul3A_388 = arith.muli %scan3A_205, %mul3A_387 : i32
        %add3A_389 = arith.constant 9 : i32
        %add3A_390 = arith.addi %mul3A_388, %add3A_389 : i32
        %get3A_391 = arith.index_cast %add3A_390 : i32 to index
        %get3A_392 = arith.constant 48 : index
        %get3A_393 = tpu.vector_load %arg9[%get3A_391, %get3A_392] {strides = array<i32>} : memref<1024x64xf32, #tpu.memory_space<vmem>>, vector<1x16xf32>,
        %get3A_394 = vector.shape_cast %get3A_393 : vector<1x16xf32> to vector<16xf32>
        %slice3A_395 = vector.extract_strided_slice %get3A_209 {offsets = [9], sizes = [1], strides = [1]} : vector<16xi32> to vector<1xi32>
        %squeeze3A_396 = vector.extract %slice3A_395[0] : i32 from vector<1xi32>
        %get3A_397 = arith.index_cast %squeeze3A_396 : i32 to index
        %get3A_398 = arith.constant 0 : index
        %get3A_399 = tpu.vector_load %arg10[%get3A_397, %get3A_398] {strides = array<i32>} : memref<200x16xf32, #tpu.memory_space<vmem>>, vector<1x16xf32>,
        %get3A_400 = vector.shape_cast %get3A_399 : vector<1x16xf32> to vector<16xf32>
        %add3A_401 = arith.addf %get3A_394, %get3A_400 : vector<16xf32>
        %swap3A_402 = arith.index_cast %add3A_390 : i32 to index
        %swap3A_403 = arith.constant 0 : index
        %swap3A_404 = tpu.vector_load %arg11[%swap3A_402, %swap3A_403] {strides = array<i32>} : memref<1024x16xf32, #tpu.memory_space<vmem>>, vector<1x16xf32>,
        %swap3A_405 = vector.shape_cast %swap3A_404 : vector<1x16xf32> to vector<16xf32>
        %swap3A_406 = vector.shape_cast %add3A_401 : vector<16xf32> to vector<1x16xf32>
        tpu.vector_store %arg11[%swap3A_402, %swap3A_403], %swap3A_406 {strides = array<i32>} : memref<1024x16xf32, #tpu.memory_space<vmem>>, vector<1x16xf32>,
        %mul3A_407 = arith.constant 16 : i32
        %mul3A_408 = arith.muli %scan3A_205, %mul3A_407 : i32
        %add3A_409 = arith.constant 10 : i32
        %add3A_410 = arith.addi %mul3A_408, %add3A_409 : i32
        %get3A_411 = arith.index_cast %add3A_410 : i32 to index
        %get3A_412 = arith.constant 48 : index
        %get3A_413 = tpu.vector_load %arg9[%get3A_411, %get3A_412] {strides = array<i32>} : memref<1024x64xf32, #tpu.memory_space<vmem>>, vector<1x16xf32>,
        %get3A_414 = vector.shape_cast %get3A_413 : vector<1x16xf32> to vector<16xf32>
        %slice3A_415 = vector.extract_strided_slice %get3A_209 {offsets = [10], sizes = [1], strides = [1]} : vector<16xi32> to vector<1xi32>
        %squeeze3A_416 = vector.extract %slice3A_415[0] : i32 from vector<1xi32>
        %get3A_417 = arith.index_cast %squeeze3A_416 : i32 to index
        %get3A_418 = arith.constant 0 : index
        %get3A_419 = tpu.vector_load %arg10[%get3A_417, %get3A_418] {strides = array<i32>} : memref<200x16xf32, #tpu.memory_space<vmem>>, vector<1x16xf32>,
        %get3A_420 = vector.shape_cast %get3A_419 : vector<1x16xf32> to vector<16xf32>
        %add3A_421 = arith.addf %get3A_414, %get3A_420 : vector<16xf32>
        %swap3A_422 = arith.index_cast %add3A_410 : i32 to index
        %swap3A_423 = arith.constant 0 : index
        %swap3A_424 = tpu.vector_load %arg11[%swap3A_422, %swap3A_423] {strides = array<i32>} : memref<1024x16xf32, #tpu.memory_space<vmem>>, vector<1x16xf32>,
        %swap3A_425 = vector.shape_cast %swap3A_424 : vector<1x16xf32> to vector<16xf32>
        %swap3A_426 = vector.shape_cast %add3A_421 : vector<16xf32> to vector<1x16xf32>
        tpu.vector_store %arg11[%swap3A_422, %swap3A_423], %swap3A_426 {strides = array<i32>} : memref<1024x16xf32, #tpu.memory_space<vmem>>, vector<1x16xf32>,
        %mul3A_427 = arith.constant 16 : i32
        %mul3A_428 = arith.muli %scan3A_205, %mul3A_427 : i32
        %add3A_429 = arith.constant 11 : i32
        %add3A_430 = arith.addi %mul3A_428, %add3A_429 : i32
        %get3A_431 = arith.index_cast %add3A_430 : i32 to index
        %get3A_432 = arith.constant 48 : index
        %get3A_433 = tpu.vector_load %arg9[%get3A_431, %get3A_432] {strides = array<i32>} : memref<1024x64xf32, #tpu.memory_space<vmem>>, vector<1x16xf32>,
        %get3A_434 = vector.shape_cast %get3A_433 : vector<1x16xf32> to vector<16xf32>
        %slice3A_435 = vector.extract_strided_slice %get3A_209 {offsets = [11], sizes = [1], strides = [1]} : vector<16xi32> to vector<1xi32>
        %squeeze3A_436 = vector.extract %slice3A_435[0] : i32 from vector<1xi32>
        %get3A_437 = arith.index_cast %squeeze3A_436 : i32 to index
        %get3A_438 = arith.constant 0 : index
        %get3A_439 = tpu.vector_load %arg10[%get3A_437, %get3A_438] {strides = array<i32>} : memref<200x16xf32, #tpu.memory_space<vmem>>, vector<1x16xf32>,
        %get3A_440 = vector.shape_cast %get3A_439 : vector<1x16xf32> to vector<16xf32>
        %add3A_441 = arith.addf %get3A_434, %get3A_440 : vector<16xf32>
        %swap3A_442 = arith.index_cast %add3A_430 : i32 to index
        %swap3A_443 = arith.constant 0 : index
        %swap3A_444 = tpu.vector_load %arg11[%swap3A_442, %swap3A_443] {strides = array<i32>} : memref<1024x16xf32, #tpu.memory_space<vmem>>, vector<1x16xf32>,
        %swap3A_445 = vector.shape_cast %swap3A_444 : vector<1x16xf32> to vector<16xf32>
        %swap3A_446 = vector.shape_cast %add3A_441 : vector<16xf32> to vector<1x16xf32>
        tpu.vector_store %arg11[%swap3A_442, %swap3A_443], %swap3A_446 {strides = array<i32>} : memref<1024x16xf32, #tpu.memory_space<vmem>>, vector<1x16xf32>,
        %mul3A_447 = arith.constant 16 : i32
        %mul3A_448 = arith.muli %scan3A_205, %mul3A_447 : i32
        %add3A_449 = arith.constant 12 : i32
        %add3A_450 = arith.addi %mul3A_448, %add3A_449 : i32
        %get3A_451 = arith.index_cast %add3A_450 : i32 to index
        %get3A_452 = arith.constant 48 : index
        %get3A_453 = tpu.vector_load %arg9[%get3A_451, %get3A_452] {strides = array<i32>} : memref<1024x64xf32, #tpu.memory_space<vmem>>, vector<1x16xf32>,
        %get3A_454 = vector.shape_cast %get3A_453 : vector<1x16xf32> to vector<16xf32>
        %slice3A_455 = vector.extract_strided_slice %get3A_209 {offsets = [12], sizes = [1], strides = [1]} : vector<16xi32> to vector<1xi32>
        %squeeze3A_456 = vector.extract %slice3A_455[0] : i32 from vector<1xi32>
        %get3A_457 = arith.index_cast %squeeze3A_456 : i32 to index
        %get3A_458 = arith.constant 0 : index
        %get3A_459 = tpu.vector_load %arg10[%get3A_457, %get3A_458] {strides = array<i32>} : memref<200x16xf32, #tpu.memory_space<vmem>>, vector<1x16xf32>,
        %get3A_460 = vector.shape_cast %get3A_459 : vector<1x16xf32> to vector<16xf32>
        %add3A_461 = arith.addf %get3A_454, %get3A_460 : vector<16xf32>
        %swap3A_462 = arith.index_cast %add3A_450 : i32 to index
        %swap3A_463 = arith.constant 0 : index
        %swap3A_464 = tpu.vector_load %arg11[%swap3A_462, %swap3A_463] {strides = array<i32>} : memref<1024x16xf32, #tpu.memory_space<vmem>>, vector<1x16xf32>,
        %swap3A_465 = vector.shape_cast %swap3A_464 : vector<1x16xf32> to vector<16xf32>
        %swap3A_466 = vector.shape_cast %add3A_461 : vector<16xf32> to vector<1x16xf32>
        tpu.vector_store %arg11[%swap3A_462, %swap3A_463], %swap3A_466 {strides = array<i32>} : memref<1024x16xf32, #tpu.memory_space<vmem>>, vector<1x16xf32>,
        %mul3A_467 = arith.constant 16 : i32
        %mul3A_468 = arith.muli %scan3A_205, %mul3A_467 : i32
        %add3A_469 = arith.constant 13 : i32
        %add3A_470 = arith.addi %mul3A_468, %add3A_469 : i32
        %get3A_471 = arith.index_cast %add3A_470 : i32 to index
        %get3A_472 = arith.constant 48 : index
        %get3A_473 = tpu.vector_load %arg9[%get3A_471, %get3A_472] {strides = array<i32>} : memref<1024x64xf32, #tpu.memory_space<vmem>>, vector<1x16xf32>,
        %get3A_474 = vector.shape_cast %get3A_473 : vector<1x16xf32> to vector<16xf32>
        %slice3A_475 = vector.extract_strided_slice %get3A_209 {offsets = [13], sizes = [1], strides = [1]} : vector<16xi32> to vector<1xi32>
        %squeeze3A_476 = vector.extract %slice3A_475[0] : i32 from vector<1xi32>
        %get3A_477 = arith.index_cast %squeeze3A_476 : i32 to index
        %get3A_478 = arith.constant 0 : index
        %get3A_479 = tpu.vector_load %arg10[%get3A_477, %get3A_478] {strides = array<i32>} : memref<200x16xf32, #tpu.memory_space<vmem>>, vector<1x16xf32>,
        %get3A_480 = vector.shape_cast %get3A_479 : vector<1x16xf32> to vector<16xf32>
        %add3A_481 = arith.addf %get3A_474, %get3A_480 : vector<16xf32>
        %swap3A_482 = arith.index_cast %add3A_470 : i32 to index
        %swap3A_483 = arith.constant 0 : index
        %swap3A_484 = tpu.vector_load %arg11[%swap3A_482, %swap3A_483] {strides = array<i32>} : memref<1024x16xf32, #tpu.memory_space<vmem>>, vector<1x16xf32>,
        %swap3A_485 = vector.shape_cast %swap3A_484 : vector<1x16xf32> to vector<16xf32>
        %swap3A_486 = vector.shape_cast %add3A_481 : vector<16xf32> to vector<1x16xf32>
        tpu.vector_store %arg11[%swap3A_482, %swap3A_483], %swap3A_486 {strides = array<i32>} : memref<1024x16xf32, #tpu.memory_space<vmem>>, vector<1x16xf32>,
        %mul3A_487 = arith.constant 16 : i32
        %mul3A_488 = arith.muli %scan3A_205, %mul3A_487 : i32
        %add3A_489 = arith.constant 14 : i32
        %add3A_490 = arith.addi %mul3A_488, %add3A_489 : i32
        %get3A_491 = arith.index_cast %add3A_490 : i32 to index
        %get3A_492 = arith.constant 48 : index
        %get3A_493 = tpu.vector_load %arg9[%get3A_491, %get3A_492] {strides = array<i32>} : memref<1024x64xf32, #tpu.memory_space<vmem>>, vector<1x16xf32>,
        %get3A_494 = vector.shape_cast %get3A_493 : vector<1x16xf32> to vector<16xf32>
        %slice3A_495 = vector.extract_strided_slice %get3A_209 {offsets = [14], sizes = [1], strides = [1]} : vector<16xi32> to vector<1xi32>
        %squeeze3A_496 = vector.extract %slice3A_495[0] : i32 from vector<1xi32>
        %get3A_497 = arith.index_cast %squeeze3A_496 : i32 to index
        %get3A_498 = arith.constant 0 : index
        %get3A_499 = tpu.vector_load %arg10[%get3A_497, %get3A_498] {strides = array<i32>} : memref<200x16xf32, #tpu.memory_space<vmem>>, vector<1x16xf32>,
        %get3A_500 = vector.shape_cast %get3A_499 : vector<1x16xf32> to vector<16xf32>
        %add3A_501 = arith.addf %get3A_494, %get3A_500 : vector<16xf32>
        %swap3A_502 = arith.index_cast %add3A_490 : i32 to index
        %swap3A_503 = arith.constant 0 : index
        %swap3A_504 = tpu.vector_load %arg11[%swap3A_502, %swap3A_503] {strides = array<i32>} : memref<1024x16xf32, #tpu.memory_space<vmem>>, vector<1x16xf32>,
        %swap3A_505 = vector.shape_cast %swap3A_504 : vector<1x16xf32> to vector<16xf32>
        %swap3A_506 = vector.shape_cast %add3A_501 : vector<16xf32> to vector<1x16xf32>
        tpu.vector_store %arg11[%swap3A_502, %swap3A_503], %swap3A_506 {strides = array<i32>} : memref<1024x16xf32, #tpu.memory_space<vmem>>, vector<1x16xf32>,
        %mul3A_507 = arith.constant 16 : i32
        %mul3A_508 = arith.muli %scan3A_205, %mul3A_507 : i32
        %add3A_509 = arith.constant 15 : i32
        %add3A_510 = arith.addi %mul3A_508, %add3A_509 : i32
        %get3A_511 = arith.index_cast %add3A_510 : i32 to index
        %get3A_512 = arith.constant 48 : index
        %get3A_513 = tpu.vector_load %arg9[%get3A_511, %get3A_512] {strides = array<i32>} : memref<1024x64xf32, #tpu.memory_space<vmem>>, vector<1x16xf32>,
        %get3A_514 = vector.shape_cast %get3A_513 : vector<1x16xf32> to vector<16xf32>
        %slice3A_515 = vector.extract_strided_slice %get3A_209 {offsets = [15], sizes = [1], strides = [1]} : vector<16xi32> to vector<1xi32>
        %squeeze3A_516 = vector.extract %slice3A_515[0] : i32 from vector<1xi32>
        %get3A_517 = arith.index_cast %squeeze3A_516 : i32 to index
        %get3A_518 = arith.constant 0 : index
        %get3A_519 = tpu.vector_load %arg10[%get3A_517, %get3A_518] {strides = array<i32>} : memref<200x16xf32, #tpu.memory_space<vmem>>, vector<1x16xf32>,
        %get3A_520 = vector.shape_cast %get3A_519 : vector<1x16xf32> to vector<16xf32>
        %add3A_521 = arith.addf %get3A_514, %get3A_520 : vector<16xf32>
        %swap3A_522 = arith.index_cast %add3A_510 : i32 to index
        %swap3A_523 = arith.constant 0 : index
        %swap3A_524 = tpu.vector_load %arg11[%swap3A_522, %swap3A_523] {strides = array<i32>} : memref<1024x16xf32, #tpu.memory_space<vmem>>, vector<1x16xf32>,
        %swap3A_525 = vector.shape_cast %swap3A_524 : vector<1x16xf32> to vector<16xf32>
        %swap3A_526 = vector.shape_cast %add3A_521 : vector<16xf32> to vector<1x16xf32>
        tpu.vector_store %arg11[%swap3A_522, %swap3A_523], %swap3A_526 {strides = array<i32>} : memref<1024x16xf32, #tpu.memory_space<vmem>>, vector<1x16xf32>,
      }
      %scan3A_204 = arith.constant 64 : i32
      "tpu.region"() ({
        %run_scoped3A = tpu.sem_alloc : memref<!tpu.dma_semaphore, #tpu.memory_space<semaphore_mem>>
        %dma_start3A_205 = arith.constant 0 : i32
        %dma_start3A_206 = tpu.memref_slice %arg6[%multiple_of3A, %dma_start3A_205] : memref<819200x64xf32, #tpu.memory_space<hbm>> -> memref<1024x64xf32, #tpu.memory_space<hbm>>
        %dma_start3A_207 = arith.constant 0 : i32
        %dma_start3A_208 = tpu.memref_slice %arg6[%multiple_of3A, %dma_start3A_207] : memref<819200x64xf32, #tpu.memory_space<hbm>> -> memref<1024x64xf32, #tpu.memory_space<hbm>>
        tpu.enqueue_dma source(%arg9 : memref<1024x64xf32, #tpu.memory_space<vmem>>) target(%dma_start3A_208 : memref<1024x64xf32, #tpu.memory_space<hbm>>) target_semaphore(%run_scoped3A : memref<!tpu.dma_semaphore, #tpu.memory_space<semaphore_mem>>)
        %dma_wait3A_209 = arith.constant 0 : i32
        %dma_wait3A_210 = tpu.memref_slice %arg6[%multiple_of3A, %dma_wait3A_209] : memref<819200x64xf32, #tpu.memory_space<hbm>> -> memref<1024x64xf32, #tpu.memory_space<hbm>>
        %dma_wait3A_211 = arith.constant 0 : i32
        %dma_wait3A_212 = tpu.memref_slice %arg6[%multiple_of3A, %dma_wait3A_211] : memref<819200x64xf32, #tpu.memory_space<hbm>> -> memref<1024x64xf32, #tpu.memory_space<hbm>>
        tpu.wait_dma2 semaphore(%run_scoped3A : memref<!tpu.dma_semaphore, #tpu.memory_space<semaphore_mem>>) src(%arg9 : memref<1024x64xf32, #tpu.memory_space<vmem>>) dst(%dma_wait3A_212 : memref<1024x64xf32, #tpu.memory_space<hbm>>)
        tpu.yield
      }) : () -> ()
      "tpu.region"() ({
        %run_scoped3A = tpu.sem_alloc : memref<!tpu.dma_semaphore, #tpu.memory_space<semaphore_mem>>
        %dma_start3A_205 = arith.constant 48 : i32
        %dma_start3A_206 = tpu.memref_slice %arg6[%multiple_of3A, %dma_start3A_205] : memref<819200x64xf32, #tpu.memory_space<hbm>> -> memref<1024x16xf32, #tpu.memory_space<hbm>>
        %dma_start3A_207 = arith.constant 48 : i32
        %dma_start3A_208 = tpu.memref_slice %arg6[%multiple_of3A, %dma_start3A_207] : memref<819200x64xf32, #tpu.memory_space<hbm>> -> memref<1024x16xf32, #tpu.memory_space<hbm>>
        tpu.enqueue_dma source(%arg11 : memref<1024x16xf32, #tpu.memory_space<vmem>>) target(%dma_start3A_208 : memref<1024x16xf32, #tpu.memory_space<hbm>>) target_semaphore(%run_scoped3A : memref<!tpu.dma_semaphore, #tpu.memory_space<semaphore_mem>>)
        %dma_wait3A_209 = arith.constant 48 : i32
        %dma_wait3A_210 = tpu.memref_slice %arg6[%multiple_of3A, %dma_wait3A_209] : memref<819200x64xf32, #tpu.memory_space<hbm>> -> memref<1024x16xf32, #tpu.memory_space<hbm>>
        %dma_wait3A_211 = arith.constant 48 : i32
        %dma_wait3A_212 = tpu.memref_slice %arg6[%multiple_of3A, %dma_wait3A_211] : memref<819200x64xf32, #tpu.memory_space<hbm>> -> memref<1024x16xf32, #tpu.memory_space<hbm>>
        tpu.wait_dma2 semaphore(%run_scoped3A : memref<!tpu.dma_semaphore, #tpu.memory_space<semaphore_mem>>) src(%arg11 : memref<1024x16xf32, #tpu.memory_space<vmem>>) dst(%dma_wait3A_212 : memref<1024x16xf32, #tpu.memory_space<hbm>>)
        tpu.yield
      }) : () -> ()
    }
    %scan3A_7 = arith.constant 25 : i32
    return
  }
}

</mosaic_0001>

<sc_bundles>
// kernel: kernel.3.cloned.1.call-start
scs
__scs_entry_jumppad:
0x0: {  	(pc) =	sbr.rel $0x88, $3  }
0x1: {  	(tag) =	ssettag $0x0;
	lr =	simm.s32 $0x1  }
0x2: {  	[smem:$0x3F9D] =	sst lr;
	_ =	strace $0xD0000000  }
0x3: {  	_ = 	snop  }
0x4: {  	_ = 	snop  }
0x5: {  	_ = 	snop  }
0x6: {  	_ = 	snop  }
0x7: {  	_ = 	snop  }
__scs_overlays_trampoline_lowered:
0x8: {  	[smem:$0x3FAC] =	sst s0  }
0x9: {  	[smem:$0x3FAD] =	sst s1  }
0xa: {  	[smem:$0x3FAE] =	sst s2  }
0xb: {  	[smem:$0x3FAF] =	sst s3  }
0xc: {  	[smem:$0x3FB0] =	sst s4  }
0xd: {  	[smem:$0x3FB1] =	sst s5  }
0xe: {  	[smem:$0x3FB2] =	sst s6  }
0xf: {  	[smem:$0x3FB3] =	sst s7  }
0x10: {  	[smem:$0x3FB4] =	sst s8  }
0x11: {  	[smem:$0x3FB5] =	sst s9;
	s0 =	simm.s32 @!p0 $0x0  }
0x12: {  	s1 =	sld [smem:$0x3F9B];
	s0 =	simm.s32 @p0 $0x1  }
0x13: {  	[smem:$0x3FB6] =	sst s0;
	s0 =	simm.s32 @!p1 $0x0  }
0x14: {  	s2 =	sld [smem:$0x3F9A];
	s0 =	simm.s32 @p1 $0x1  }
0x15: {  	[smem:$0x3FB7] =	sst s0;
	s0 =	simm.s32 @!p2 $0x0  }
0x16: {  	s3 =	sld [smem:$0x3FDB];
	s0 =	simm.s32 @p2 $0x1  }
0x17: {  	s4 =	simm.s32 $0x1BF5;
	[smem:$0x3FB9] =	sst s0  }
0x18: {  	s0 =	sld [smem:$0x3F9C];
	_ =	swait.ge [sflag:s4], $0x0  }
0x19: {  	s7 =	sld [smem:$0x3F9D]  }
0x1a: {  	s8 =	sadd.s32 $0xFFFFE003, lr  }
0x1b: {  	s9 =	sadd.s32 $0xFFFFFEF7, lr;
	s5 =	simm.s32 $0xFFFFFFFF;
	p2 =	slt.u32 s8, $0xFFFFF086  }
0x1c: {  	p1 =	slt.u32 s9, $0xF7A;
	s5 =	simm.s32 @!p2 $0x0  }
0x1d: {  	s5 =	simm.s32 @p1 $0x1;
	p0 =	seq.s32 s7, s2  }
0x1e: {  	s7 =	smul.u32 @!p0 $0xF7A, s2;
	p2 =	seq.s32 @!p0 s5, $0x0  }
0x1f: {  	s9 =	smul.u32 $0xF7A, s1;
	s8 =	simm.s32 @!p0 $0x1BF5;
	p2 =	por !p2, p0  }
0x20: {  	[sflag:s8] =	ssyncset.s32 @!p0 $0xFFFFF086;
	s6 =	sadd.s32 @!p0 s3, s7;
	s7 =	simm.s32 @!p0 $0x108  }
0x21: {  	s3 =	sadd.s32 s3, s9;
	s6 =	sadd.s32 @!p0 $0x88, s6;
	s7 =	simm.s32 @p2 $0x1082  }
0x22: {  	[simem:s7], [sflag:s8] =	dma.local @!p0 [hbm:s6], $0xF7A  }
0x23: {  	s9 =	sor.u32 $0xD0000000, s2;
	s6 =	simm.s32 $0x108;
	_ =	swait.ge @!p0 [sflag:s8], $0x0  }
0x24: {  	s3 =	sadd.s32 $0x88, s3;
	s6 =	simm.s32 @!p1 $0x1082;
	[sflag:s4] =	ssyncset.s32 $0xFFFFF086  }
0x25: {  	[simem:s6], [sflag:s4] =	dma.local [hbm:s3], $0xF7A  }
0x26: {  	[smem:$0x3F9D] =	sst s1;
	(tag) =	ssettag s2;
	_ =	strace s9  }
0x27: {  	s1 =	sld [smem:$0x3FAD]  }
0x28: {  	s2 =	sld [smem:$0x3FAE]  }
0x29: {  	s4 =	sld [smem:$0x3FB0]  }
0x2a: {  	p0 =	seq.s32 s5, $0x0;
	s5 =	sld [smem:$0x3FB1]  }
0x2b: {  	s6 =	sld [smem:$0x3FB2]  }
0x2c: {  	s7 =	sld [smem:$0x3FB3]  }
0x2d: {  	s3 =	simm.s32 $0x108;
	s8 =	sld [smem:$0x3FB4]  }
0x2e: {  	s3 =	simm.s32 @!p0 $0x1082;
	s9 =	sld [smem:$0x3FB5]  }
0x2f: {  	lr =	sadd.s32 s0, s3;
	s0 =	sld [smem:$0x3FAC]  }
0x30: {  	s3 =	sld [smem:$0x3FAF]  }
0x31: {  	[smem:$0x3FB8] =	sst s10  }
0x32: {  	s10 =	sld [smem:$0x3FB6];
	_ =	sdelay $0x3  }
0x33: {  	p0 =	seq.s32 s10, $0x1;
	s10 =	sld [smem:$0x3FB8];
	_ =	sdelay $0x3  }
0x34: {  	[smem:$0x3FB8] =	sst s10  }
0x35: {  	s10 =	sld [smem:$0x3FB7];
	_ =	sdelay $0x3  }
0x36: {  	p1 =	seq.s32 s10, $0x1;
	s10 =	sld [smem:$0x3FB8];
	_ =	sdelay $0x3  }
0x37: {  	[smem:$0x3FB8] =	sst s10  }
0x38: {  	s10 =	sld [smem:$0x3FB9]  }
0x39: {  	_ = 	snop;
	(pc) =	sbr.ind lr, $3  }
0x3a: {  	_ = 	snop  }
0x3b: {  	_ = 	snop  }
0x3c: {  	p2 =	seq.s32 s10, $0x1;
	s10 =	sld [smem:$0x3FB8]  }
0x3d: {  	_ =	shalt  }
0x3e: {  	_ =	shalt  }
0x3f: {  	_ =	shalt  }
0x40: {  	_ =	shalt  }
0x41: {  	_ =	shalt  }
0x42: {  	_ =	shalt  }
0x43: {  	_ =	shalt  }
0x44: {  	_ =	shalt  }
0x45: {  	_ =	shalt  }
0x46: {  	_ =	shalt  }
0x47: {  	_ =	shalt  }
0x48: {  	_ =	shalt  }
0x49: {  	_ =	shalt  }
0x4a: {  	_ =	shalt  }
0x4b: {  	_ =	shalt  }
0x4c: {  	_ =	shalt  }
0x4d: {  	_ =	shalt  }
0x4e: {  	_ =	shalt  }
0x4f: {  	_ =	shalt  }
0x50: {  	_ =	shalt  }
0x51: {  	_ =	shalt  }
0x52: {  	_ =	shalt  }
0x53: {  	_ =	shalt  }
0x54: {  	_ =	shalt  }
0x55: {  	_ =	shalt  }
0x56: {  	_ =	shalt  }
0x57: {  	_ =	shalt  }
0x58: {  	_ =	shalt  }
0x59: {  	_ =	shalt  }
0x5a: {  	_ =	shalt  }
0x5b: {  	_ =	shalt  }
0x5c: {  	_ =	shalt  }
0x5d: {  	_ =	shalt  }
0x5e: {  	_ =	shalt  }
0x5f: {  	_ =	shalt  }
0x60: {  	_ =	shalt  }
0x61: {  	_ =	shalt  }
0x62: {  	_ =	shalt  }
0x63: {  	_ =	shalt  }
0x64: {  	_ =	shalt  }
0x65: {  	_ =	shalt  }
0x66: {  	_ =	shalt  }
0x67: {  	_ =	shalt  }
0x68: {  	_ =	shalt  }
0x69: {  	_ =	shalt  }
0x6a: {  	_ =	shalt  }
0x6b: {  	_ =	shalt  }
0x6c: {  	_ =	shalt  }
0x6d: {  	_ =	shalt  }
0x6e: {  	_ =	shalt  }
0x6f: {  	_ =	shalt  }
0x70: {  	_ =	shalt  }
0x71: {  	_ =	shalt  }
0x72: {  	_ =	shalt  }
0x73: {  	_ =	shalt  }
0x74: {  	_ =	shalt  }
0x75: {  	_ =	shalt  }
0x76: {  	_ =	shalt  }
0x77: {  	_ =	shalt  }
0x78: {  	_ =	shalt  }
0x79: {  	_ =	shalt  }
0x7a: {  	_ =	shalt  }
0x7b: {  	_ =	shalt  }
0x7c: {  	_ =	shalt  }
0x7d: {  	_ =	shalt  }
0x7e: {  	_ =	shalt  }
0x7f: {  	_ =	shalt  }
0x80: {  	_ =	shalt  }
0x81: {  	_ =	shalt  }
0x82: {  	_ =	shalt  }
0x83: {  	_ =	shalt  }
0x84: {  	_ =	shalt  }
0x85: {  	_ =	shalt  }
0x86: {  	_ =	shalt  }
0x87: {  	_ =	shalt  }
.Lfunc_end0:
.L_simem_size_0:
called_computation.1_lowered:
.L_overlay_start_0:
0x88: {  	s2 =	sld [smem:$0x3FD9]  }
0x89: {  	s3 =	sld [smem:$0x3FFE];
	_ =	sdelay $0x1  }
0x8a: {  	s1 =	srdreg.scid  }
0x8b: {  	s0 =	sand.u32 $0x1, s1  }
0x8c: {  	s17 =	sshll.u32 s0, $0xA;
	s2 =	sadd.s32 s3, s2  }
0x8d: {  	s2 =	sadd.s32 s2, s17  }
0x8e: {  	[smem:$0x3FC4] =	sst s2  }
0x8f: {  	_ = 	snop  }
0x90: {  	s2 =	sld [smem:$0x3FD0];
	(tm) =	ssettm $0x1  }
0x91: {  	s18 =	sld [smem:$0x3FFB];
	_ =	sdelay $0x3  }
0x92: {  	_ =	strace s18  }
0x93: {  	s3 =	sld [smem:$0x3FFC];
	_ =	sdelay $0x3  }
0x94: {  	_ =	strace s3  }
0x95: {  	s3 =	sld [smem:$0x3FFD];
	_ =	sdelay $0x3  }
0x96: {  	_ =	strace s3  }
0x97: {  	_ =	strace $0x8FFFFFFF  }
0x98: {  	s19 =	sld [smem:$0x3FDB];
	_ =	sdelay $0x1  }
0x99: {  	s4 =	simm.s32 $_scs_section_size  }
0x9a: {  	s5 =	simm.s32 $_size__tile_overlayer_lowered;
	s6 =	simm.s32 $_tile_overlayer_lowered  }
0x9b: {  	s22 =	simm.s32 $0x1BFF;
	s21 =	sshll.u32 s6, $0x1;
	s3 =	sadd.s32 s4, s19  }
0x9c: {  	s7 =	simm.s32 $0x0;
	s20 =	sshll.u32 s5, $0x1;
	s5 =	sadd.s32 s21, s3  }
0x9d: {  	[timem:s7], [sflag:s22] =	dma.local [hbm:s5], s20  }
0x9e: {  	_ =	swait.ge [sflag:s22], s20  }
0x9f: {  	s4 =	ssub.s32 $0x0, s20;
	[sflag:s22] =	ssyncset.done $0x0  }
0xa0: {  	[sflag:s22] =	ssyncadd.s32 s4;
	_ =	sdelay $0x1  }
0xa1: {  	s23 =	simm.s32 $0x1B8B  }
0xa2: {  	_ =	swait.ge [sflag:s23], $0x1  }
0xa3: {  	[sflag:s23] =	ssyncset.done $0x0  }
0xa4: {  	s25 =	simm.s32 $0x1B8E;
	s24 =	sld [smem:$0x3FFE];
	[sflag:s23] =	ssyncadd.s32 $0xFFFFFFFF  }
0xa5: {  	s26 =	simm.s32 $execute0_lowered;
	[smem:$0x3FD2] =	sst s25  }
0xa6: {  	s5 =	sshll.u32 s26, $0x1;
	_ =	strace $0x80000046;
	[dreg:$0x1] =	wrdreg $0xFFFFFFFF  }
0xa7: {  	s28 =	simm.s32 $_size_execute0_lowered;
	s3 =	sadd.s32 s3, s5;
	[dreg:$0x0] =	wrdreg $0x0  }
0xa8: {  	s5 =	sshll.u32 s28, $0x1;
	[dreg:$0x2] =	wrdreg s3  }
0xa9: {  	[dreg:$0x3] =	wrdreg s5  }
0xaa: {  	[dreg:$0x4] =	wrdreg $0xC0  }
0xab: {  	_ =	task [dreg:s7], $0x5FFFF  }
0xac: {  	[dreg:$0x1] =	wrdreg $0xFFFFFFFF  }
0xad: {  	[dreg:$0x0] =	wrdreg $0x60  }
0xae: {  	[dreg:$0x2] =	wrdreg s24  }
0xaf: {  	[dreg:$0x3] =	wrdreg s2  }
0xb0: {  	[dreg:$0x4] =	wrdreg $0x9  }
0xb1: {  	_ =	task.clear_ibuf [dreg:s7], $0x5FFFF;
	_ =	strace $0x90000046  }
0xb2: {  	s29 =	simm.s32 $0x9;
	_ =	strace $0x80000048  }
0xb3: {  	_ =	swait.ge [sflag:s29], $0x1  }
0xb4: {  	[sflag:s29] =	ssyncadd.s32 $0xFFFFFFFF  }
0xb5: {  	_ =	strace $0x90000048  }
0xb6: {  	_ =	sfence  }
0xb7: {  	s30 =	sld [smem:$0x0];
	_ =	sdelay $0x2  }
0xb8: {  	s31 =	sshll.u32 s1, $0xD;
	s1 =	sshrl.u32 s1, $0x2  }
0xb9: {  	s3 =	sand.u32 $0x4000, s31;
	s1 =	sadd.s32 s1, s30  }
0xba: {  	s0 =	sor.u32 s3, s0;
	s1 =	sshll.u32 s1, $0x11  }
0xbb: {  	s0 =	sor.u32 s1, s0  }
0xbc: {  	s0 =	sadd.s32 $0x8F2B, s0  }
0xbd: {  	[sflag:s0] =	ssyncadd.remote.s32 $0x1  }
0xbe: {  	_ =	sfence.sel $0xFFFF  }
0xbf: {  	[dreg:$0x0] =	wrdreg $0xFFFFFFFF;
	(pc) =	sbr.abs _section_cstart, $3  }
0xc0: {  	[dreg:$0x1] =	wrdreg $0xFFFFFFFF  }
0xc1: {  	_ =	task.clear_ibuf [dreg:s7], $0x2FFFF;
	_ =	strace $0x9FFFFFFF  }
0xc2: {  	(tm) =	ssettm $0x7FFFFFFF  }
0xc3: {  	_ =	shalt  }
tec
execute0_lowered:
.L_overlay_start_1:
0x0: {  	(tag) =	ssettag $0x1  }
0x1: {  	s0 =	rddreg [dreg:$0x0]  }
0x2: {  	s9 =	rddreg [dreg:$0x1];
	s1 =	simm.s32 $0x0;
	s25 =	srdreg.scid  }
0x3: {  	s7 =	stileid.u32;
	s12 =	simm.s32 $0x3;
	s14 =	simm.s32 $0x1  }
0x4: {  	s15 =	simm.s32 $0x80;
	s16 =	simm.s32 $0x800;
	s21 =	simm.s32 $0x6800  }
0x5: {  	s22 =	simm.s32 $0x200;
	s23 =	simm.s32 $0x8800;
	s24 =	simm.s32 $0x280  }
0x6: {  	s28 =	simm.s32 $0xC800;
	s29 =	simm.s32 $0x380;
	s30 =	simm.s32 $0xE800  }
0x7: {  	s31 =	simm.s32 $0x2;
	s11 =	simm.s32 $0x11480;
	[smem:$0x7FF] =	sst s1  }
0x8: {  	s4 =	sadd.s32 $0x7BB000, s0;
	s1 =	sand.u32 $0x1, s25;
	s5 =	sadd.s32 $0x7A2000, s0  }
0x9: {  	s6 =	sadd.s32 $0xE00, s0;
	s7 =	sshll.u32 s7, $0x1;
	s0 =	sadd.s32 $0x7D4000, s0  }
0xa: {  	s9 =	sadd.s32 $0x6, s9;
	s25 =	simm.s32 $0xA800;
	s2 =	ssub.s32 $0x2, s1  }
0xb: {  	_ =	strace $0x80000047;
	s1 =	sor.u32 s1, s7;
	s3 =	sshrl.u32 s2, $0x1  }
0xc: {  	[dreg:$0x3] =	wrdreg s0;
	s8 =	smul.u32 $0x6400, s1;
	s26 =	ssub.s32 s2, s3  }
0xd: {  	s3 =	simm.s32 $0x40;
	s2 =	simm.s32 $0x0;
	s0 =	smax.u32 s26, $0x1  }
0xe: {  	s26 =	simm.s32 $0x300;
	[dreg:$0x4] =	wrdreg s0;
	s0 =	simm.s32 $0x10  }
.LBB2_1:
0xf: {  	[dreg:$0x5] =	wrdreg s2  }
0x10: {  	s1 =	simm.s32 $0x0;
	s20 =	rddreg [dreg:$0x3];
	s7 =	simm.s32 $0x10800  }
0x11: {  	[tilespmem:s7], [sflag:$0x3] =	stream.linear.gather [hbm4b:s20+s1], $0xC80, $0x38;
	[tilespmem:$0x15480] =	vst v63  }
0x12: {  	_ =	swait.ge [sflag:s12], $0xC80  }
0x13: {  	[sflag:s12] =	ssyncset.done $0x0  }
0x14: {  	s10 =	simm.s32 $0x0;
	[sflag:s12] =	ssyncadd.s32 $0xFFFFF380  }
.LBB2_2:
0x15: {  	s1 =	sshll.u32 s10, $0xA  }
0x16: {  	s7 =	sadd.s32 s8, s1  }
0x17: {  	s1 =	sshrl.u32 s7, $0x3  }
0x18: {  	s13 =	simm.s32 $0x0;
	s2 =	sadd.s32 s4, s1  }
0x19: {  	[tilespmem:s13], [sflag:$0x1] =	stream.linear.gather [hbm4b:s2+s13], $0x400, $0x38;
	[tilespmem:$0x15480] =	vst v63  }
0x1a: {  	s17 =	simm.s32 $0x400;
	s1 =	sadd.s32 s5, s1  }
0x1b: {  	[tilespmem:s17], [sflag:$0x1] =	stream.linear.gather [hbm4b:s1+s13], $0x400, $0x38;
	[tilespmem:$0x15480] =	vst v63  }
0x1c: {  	_ =	swait.ge [sflag:s14], $0x400  }
0x1d: {  	[sflag:s14] =	ssyncset.done $0x0  }
0x1e: {  	[sflag:s14] =	ssyncadd.s32 $0xFFFFFC00  }
0x1f: {  	_ =	swait.ge [sflag:s14], $0x400  }
0x20: {  	[sflag:s14] =	ssyncset.done $0x0  }
0x21: {  	[sflag:s14] =	ssyncadd.s32 $0xFFFFFC00  }
0x22: {  	[tilespmem:s16], [sflag:$0x2] =	stream.indirect.gather [hbm4b:s6+s15], $0x40, s13, s15, $0xb8;
	[tilespmem:$0x15480] =	vst v63  }
0x23: {  	s18 =	simm.s32 $0x2800  }
0x24: {  	[tilespmem:s18], [sflag:$0x2] =	stream.indirect.gather [hbm4b:s6+s15], $0x40, s15, s15, $0xb8;
	[tilespmem:$0x15480] =	vst v63  }
0x25: {  	s19 =	simm.s32 $0x100;
	s20 =	simm.s32 $0x4800  }
0x26: {  	[tilespmem:s20], [sflag:$0x2] =	stream.indirect.gather [hbm4b:s6+s15], $0x40, s19, s15, $0xb8;
	[tilespmem:$0x15480] =	vst v63  }
0x27: {  	s13 =	simm.s32 $0x180  }
0x28: {  	[tilespmem:s21], [sflag:$0x2] =	stream.indirect.gather [hbm4b:s6+s15], $0x40, s13, s15, $0xb8;
	[tilespmem:$0x15480] =	vst v63  }
0x29: {  	_ = 	snop  }
0x2a: {  	[tilespmem:s23], [sflag:$0x2] =	stream.indirect.gather [hbm4b:s6+s15], $0x40, s22, s15, $0xb8;
	[tilespmem:$0x15480] =	vst v63  }
0x2b: {  	_ = 	snop  }
0x2c: {  	[tilespmem:s25], [sflag:$0x2] =	stream.indirect.gather [hbm4b:s6+s15], $0x40, s24, s15, $0xb8;
	[tilespmem:$0x15480] =	vst v63  }
0x2d: {  	_ = 	snop  }
0x2e: {  	[tilespmem:s28], [sflag:$0x2] =	stream.indirect.gather [hbm4b:s6+s15], $0x40, s26, s15, $0xb8;
	[tilespmem:$0x15480] =	vst v63  }
0x2f: {  	_ = 	snop  }
0x30: {  	[tilespmem:s30], [sflag:$0x2] =	stream.indirect.gather [hbm4b:s6+s15], $0x40, s29, s15, $0xb8;
	[tilespmem:$0x15480] =	vst v63  }
0x31: {  	_ =	swait.ge [sflag:s31], $0x2000  }
0x32: {  	[sflag:s31] =	ssyncset.done $0x0  }
0x33: {  	[sflag:s31] =	ssyncadd.s32 $0xFFFFE000  }
0x34: {  	_ =	swait.ge [sflag:s31], $0x2000  }
0x35: {  	[sflag:s31] =	ssyncset.done $0x0  }
0x36: {  	[sflag:s31] =	ssyncadd.s32 $0xFFFFE000  }
0x37: {  	_ =	swait.ge [sflag:s31], $0x2000  }
0x38: {  	[sflag:s31] =	ssyncset.done $0x0  }
0x39: {  	[sflag:s31] =	ssyncadd.s32 $0xFFFFE000  }
0x3a: {  	_ =	swait.ge [sflag:s31], $0x2000  }
0x3b: {  	[sflag:s31] =	ssyncset.done $0x0  }
0x3c: {  	[sflag:s31] =	ssyncadd.s32 $0xFFFFE000  }
0x3d: {  	_ =	swait.ge [sflag:s31], $0x2000  }
0x3e: {  	[sflag:s31] =	ssyncset.done $0x0  }
0x3f: {  	[sflag:s31] =	ssyncadd.s32 $0xFFFFE000  }
0x40: {  	_ =	swait.ge [sflag:s31], $0x2000  }
0x41: {  	[sflag:s31] =	ssyncset.done $0x0  }
0x42: {  	[sflag:s31] =	ssyncadd.s32 $0xFFFFE000  }
0x43: {  	_ =	swait.ge [sflag:s31], $0x2000  }
0x44: {  	[sflag:s31] =	ssyncset.done $0x0  }
0x45: {  	[sflag:s31] =	ssyncadd.s32 $0xFFFFE000  }
0x46: {  	_ =	swait.ge [sflag:s31], $0x2000  }
0x47: {  	[sflag:s31] =	ssyncset.done $0x0  }
0x48: {  	s17 =	simm.s32 $0x0;
	[sflag:s31] =	ssyncadd.s32 $0xFFFFE000  }
0x49: {  	v0 =	vld [tilespmem:s17+$0x400];
	_ =	sdelay $0x4  }
0x4a: {  	v0 =	vshll.u32 v0, $0x6  }
0x4b: {  	v0 =	vshra.s32 v0, $0x2  }
0x4c: {  	v1 =	vadd.s32 $0x10800, v0  }
0x4d: {  	(v2sf) =	vpush v1, $0x0;
	_ =	sdelay $0x8  }
0x4e: {  	(v2sf) =	vpush v1, $0x1;
	_ =	sdelay $0x4  }
0x4f: {  	s1 =	simm.s32 $0xA30  }
0x50: {  	v0 =	vld [tilespmem:s1+$0xFFFFFE00];
	s18 =	spop (v2sf)  }
0x51: {  	v2 =	vld [tilespmem:s18+$0x0];
	_ =	sdelay $0x1  }
0x52: {  	(v2sf) =	vpush v1, $0x2;
	_ =	sdelay $0x2  }
0x53: {  	v0 =	vadd.f32 v2, v0  }
0x54: {  	s2 =	simm.s32 $0x11500  }
0x55: {  	[tilespmem:s2+$0xFFFFFF80] =	vst v0  }
0x56: {  	s19 =	spop (v2sf);
	v0 =	vld [tilespmem:s1+$0xFFFFFE40]  }
0x57: {  	v2 =	vld [tilespmem:s19+$0x0];
	_ =	sdelay $0x1  }
0x58: {  	(v2sf) =	vpush v1, $0x3;
	_ =	sdelay $0x2  }
0x59: {  	v0 =	vadd.f32 v2, v0;
	_ =	sdelay $0x1  }
0x5a: {  	[tilespmem:s2+$0xFFFFFF90] =	vst v0  }
0x5b: {  	s20 =	spop (v2sf);
	v0 =	vld [tilespmem:s1+$0xFFFFFE80]  }
0x5c: {  	v2 =	vld [tilespmem:s20+$0x0];
	_ =	sdelay $0x1  }
0x5d: {  	(v2sf) =	vpush v1, $0x4;
	_ =	sdelay $0x2  }
0x5e: {  	v0 =	vadd.f32 v2, v0;
	_ =	sdelay $0x1  }
0x5f: {  	[tilespmem:s2+$0xFFFFFFA0] =	vst v0  }
0x60: {  	s17 =	spop (v2sf);
	v0 =	vld [tilespmem:s1+$0xFFFFFEC0]  }
0x61: {  	v2 =	vld [tilespmem:s17+$0x0];
	_ =	sdelay $0x1  }
0x62: {  	(v2sf) =	vpush v1, $0x5;
	_ =	sdelay $0x2  }
0x63: {  	v0 =	vadd.f32 v2, v0;
	_ =	sdelay $0x1  }
0x64: {  	[tilespmem:s2+$0xFFFFFFB0] =	vst v0  }
0x65: {  	s18 =	spop (v2sf);
	v0 =	vld [tilespmem:s1+$0xFFFFFF00]  }
0x66: {  	v2 =	vld [tilespmem:s18+$0x0];
	_ =	sdelay $0x1  }
0x67: {  	(v2sf) =	vpush v1, $0x6;
	_ =	sdelay $0x2  }
0x68: {  	v0 =	vadd.f32 v2, v0;
	_ =	sdelay $0x1  }
0x69: {  	[tilespmem:s2+$0xFFFFFFC0] =	vst v0  }
0x6a: {  	s19 =	spop (v2sf);
	v0 =	vld [tilespmem:s1+$0xFFFFFF40]  }
0x6b: {  	v2 =	vld [tilespmem:s19+$0x0];
	_ =	sdelay $0x1  }
0x6c: {  	(v2sf) =	vpush v1, $0x7;
	_ =	sdelay $0x2  }
0x6d: {  	v0 =	vadd.f32 v2, v0;
	_ =	sdelay $0x1  }
0x6e: {  	[tilespmem:s2+$0xFFFFFFD0] =	vst v0  }
0x6f: {  	s20 =	spop (v2sf);
	v0 =	vld [tilespmem:s1+$0xFFFFFF80]  }
0x70: {  	v2 =	vld [tilespmem:s20+$0x0];
	_ =	sdelay $0x1  }
0x71: {  	(v2sf) =	vpush v1, $0x8;
	_ =	sdelay $0x2  }
0x72: {  	v0 =	vadd.f32 v2, v0;
	_ =	sdelay $0x1  }
0x73: {  	[tilespmem:s2+$0xFFFFFFE0] =	vst v0  }
0x74: {  	s17 =	spop (v2sf);
	v0 =	vld [tilespmem:s1+$0xFFFFFFC0]  }
0x75: {  	v2 =	vld [tilespmem:s17+$0x0];
	_ =	sdelay $0x1  }
0x76: {  	(v2sf) =	vpush v1, $0x9;
	_ =	sdelay $0x2  }
0x77: {  	v0 =	vadd.f32 v2, v0;
	_ =	sdelay $0x1  }
0x78: {  	[tilespmem:s2+$0xFFFFFFF0] =	vst v0  }
0x79: {  	s18 =	spop (v2sf);
	v0 =	vld [tilespmem:s1+$0x0]  }
0x7a: {  	v2 =	vld [tilespmem:s18+$0x0]  }
0x7b: {  	(v2sf) =	vpush v1, $0xA;
	_ =	sdelay $0x3  }
0x7c: {  	v0 =	vadd.f32 v2, v0;
	_ =	sdelay $0x1  }
0x7d: {  	[tilespmem:s2+$0x0] =	vst v0  }
0x7e: {  	s19 =	spop (v2sf);
	v0 =	vld [tilespmem:s1+$0x40]  }
0x7f: {  	v2 =	vld [tilespmem:s19+$0x0];
	_ =	sdelay $0x1  }
0x80: {  	(v2sf) =	vpush v1, $0xB;
	_ =	sdelay $0x2  }
0x81: {  	v0 =	vadd.f32 v2, v0;
	_ =	sdelay $0x1  }
0x82: {  	s20 =	spop (v2sf);
	(v2sf) =	vpush v1, $0xC;
	[tilespmem:s2+$0x10] =	vst v0  }
0x83: {  	v0 =	vld [tilespmem:s1+$0x80]  }
0x84: {  	v2 =	vld [tilespmem:s20+$0x0];
	_ =	sdelay $0x4  }
0x85: {  	v0 =	vadd.f32 v2, v0;
	_ =	sdelay $0x1  }
0x86: {  	[tilespmem:s2+$0x20] =	vst v0  }
0x87: {  	s17 =	spop (v2sf);
	v0 =	vld [tilespmem:s1+$0xC0]  }
0x88: {  	v2 =	vld [tilespmem:s17+$0x0];
	_ =	sdelay $0x1  }
0x89: {  	(v2sf) =	vpush v1, $0xD;
	_ =	sdelay $0x1  }
0x8a: {  	s18 =	spop (v2sf);
	(v2sf) =	vpush v1, $0xE  }
0x8b: {  	v0 =	vadd.f32 v2, v0;
	_ =	sdelay $0x1  }
0x8c: {  	[tilespmem:s2+$0x30] =	vst v0  }
0x8d: {  	v0 =	vld [tilespmem:s1+$0x100]  }
0x8e: {  	v2 =	vld [tilespmem:s18+$0x0];
	_ =	sdelay $0x4  }
0x8f: {  	v0 =	vadd.f32 v2, v0;
	_ =	sdelay $0x1  }
0x90: {  	[tilespmem:s2+$0x40] =	vst v0  }
0x91: {  	s19 =	spop (v2sf);
	v0 =	vld [tilespmem:s1+$0x140]  }
0x92: {  	v2 =	vld [tilespmem:s19+$0x0]  }
0x93: {  	s20 =	spop (v2sf);
	(v2sf) =	vpush v1, $0xF;
	_ =	sdelay $0x3  }
0x94: {  	v0 =	vadd.f32 v2, v0;
	_ =	sdelay $0x1  }
0x95: {  	[tilespmem:s2+$0x50] =	vst v0  }
0x96: {  	v0 =	vld [tilespmem:s1+$0x180]  }
0x97: {  	s13 =	simm.s32 $0x11500;
	s17 =	simm.s32 $0x40;
	s18 =	simm.s32 $0xA30;
	v1 =	vld [tilespmem:s20+$0x0]  }
.LBB2_3:
0x98: {  	p0 =	sne.s32 s17, $0xFC0;
	s1 =	sadd.s32 $0x400, s1;
	s2 =	sadd.s32 $0x100, s2  }
0x99: {  	s19 =	smov.u32 s17;
	s17 =	sadd.s32 $0x40, s17;
	_ =	sdelay $0x2  }
0x9a: {  	v0 =	vadd.f32 v1, v0;
	_ =	sdelay $0x1  }
0x9b: {  	[tilespmem:s13+$0x60] =	vst v0;
	s20 =	spop (v2sf)  }
0x9c: {  	v0 =	vld [tilespmem:s18+$0x1C0];
	s18 =	smov.u32 s1  }
0x9d: {  	v1 =	vld [tilespmem:s20+$0x0];
	_ =	sdelay $0x4  }
0x9e: {  	v0 =	vadd.f32 v1, v0;
	_ =	sdelay $0x1  }
0x9f: {  	s19 =	sshra.s32 s19, $0x2;
	[tilespmem:s13+$0x70] =	vst v0;
	s13 =	smov.u32 s2  }
0xa0: {  	v0 =	vld [tilespmem:s19+$0x400];
	_ =	sdelay $0x4  }
0xa1: {  	v0 =	vshll.u32 v0, $0x6  }
0xa2: {  	v0 =	vshra.s32 v0, $0x2  }
0xa3: {  	v0 =	vadd.s32 $0x10800, v0  }
0xa4: {  	(v2sf) =	vpush v0, $0x0;
	_ =	sdelay $0x7  }
0xa5: {  	(v2sf) =	vpush v0, $0x1;
	_ =	sdelay $0x6  }
0xa6: {  	v1 =	vld [tilespmem:s1+$0xFFFFFE00];
	s19 =	spop (v2sf)  }
0xa7: {  	v2 =	vld [tilespmem:s19+$0x0]  }
0xa8: {  	(v2sf) =	vpush v0, $0x2;
	_ =	sdelay $0x3  }
0xa9: {  	v1 =	vadd.f32 v2, v1;
	_ =	sdelay $0x1  }
0xaa: {  	[tilespmem:s2+$0xFFFFFF80] =	vst v1;
	s19 =	spop (v2sf)  }
0xab: {  	v1 =	vld [tilespmem:s1+$0xFFFFFE40]  }
0xac: {  	v2 =	vld [tilespmem:s19+$0x0]  }
0xad: {  	(v2sf) =	vpush v0, $0x3;
	_ =	sdelay $0x3  }
0xae: {  	v1 =	vadd.f32 v2, v1;
	_ =	sdelay $0x1  }
0xaf: {  	[tilespmem:s2+$0xFFFFFF90] =	vst v1;
	s19 =	spop (v2sf)  }
0xb0: {  	v1 =	vld [tilespmem:s1+$0xFFFFFE80]  }
0xb1: {  	v2 =	vld [tilespmem:s19+$0x0]  }
0xb2: {  	(v2sf) =	vpush v0, $0x4;
	_ =	sdelay $0x3  }
0xb3: {  	v1 =	vadd.f32 v2, v1;
	_ =	sdelay $0x1  }
0xb4: {  	[tilespmem:s2+$0xFFFFFFA0] =	vst v1;
	s19 =	spop (v2sf)  }
0xb5: {  	v1 =	vld [tilespmem:s1+$0xFFFFFEC0]  }
0xb6: {  	v2 =	vld [tilespmem:s19+$0x0]  }
0xb7: {  	(v2sf) =	vpush v0, $0x5;
	_ =	sdelay $0x3  }
0xb8: {  	v1 =	vadd.f32 v2, v1;
	_ =	sdelay $0x1  }
0xb9: {  	[tilespmem:s2+$0xFFFFFFB0] =	vst v1;
	s19 =	spop (v2sf)  }
0xba: {  	v1 =	vld [tilespmem:s1+$0xFFFFFF00]  }
0xbb: {  	v2 =	vld [tilespmem:s19+$0x0]  }
0xbc: {  	(v2sf) =	vpush v0, $0x6;
	_ =	sdelay $0x3  }
0xbd: {  	v1 =	vadd.f32 v2, v1;
	_ =	sdelay $0x1  }
0xbe: {  	[tilespmem:s2+$0xFFFFFFC0] =	vst v1;
	s19 =	spop (v2sf)  }
0xbf: {  	v1 =	vld [tilespmem:s1+$0xFFFFFF40]  }
0xc0: {  	v2 =	vld [tilespmem:s19+$0x0]  }
0xc1: {  	(v2sf) =	vpush v0, $0x7;
	_ =	sdelay $0x3  }
0xc2: {  	v1 =	vadd.f32 v2, v1;
	_ =	sdelay $0x1  }
0xc3: {  	[tilespmem:s2+$0xFFFFFFD0] =	vst v1;
	s19 =	spop (v2sf)  }
0xc4: {  	v1 =	vld [tilespmem:s1+$0xFFFFFF80]  }
0xc5: {  	v2 =	vld [tilespmem:s19+$0x0]  }
0xc6: {  	(v2sf) =	vpush v0, $0x8;
	_ =	sdelay $0x3  }
0xc7: {  	v1 =	vadd.f32 v2, v1;
	_ =	sdelay $0x1  }
0xc8: {  	[tilespmem:s2+$0xFFFFFFE0] =	vst v1;
	s19 =	spop (v2sf)  }
0xc9: {  	v1 =	vld [tilespmem:s1+$0xFFFFFFC0]  }
0xca: {  	v2 =	vld [tilespmem:s19+$0x0]  }
0xcb: {  	(v2sf) =	vpush v0, $0x9;
	_ =	sdelay $0x3  }
0xcc: {  	v1 =	vadd.f32 v2, v1;
	_ =	sdelay $0x1  }
0xcd: {  	[tilespmem:s2+$0xFFFFFFF0] =	vst v1;
	s19 =	spop (v2sf)  }
0xce: {  	v1 =	vld [tilespmem:s1+$0x0]  }
0xcf: {  	v2 =	vld [tilespmem:s19+$0x0]  }
0xd0: {  	(v2sf) =	vpush v0, $0xA;
	_ =	sdelay $0x3  }
0xd1: {  	v1 =	vadd.f32 v2, v1;
	_ =	sdelay $0x1  }
0xd2: {  	[tilespmem:s2+$0x0] =	vst v1;
	s19 =	spop (v2sf)  }
0xd3: {  	v1 =	vld [tilespmem:s1+$0x40]  }
0xd4: {  	v2 =	vld [tilespmem:s19+$0x0]  }
0xd5: {  	(v2sf) =	vpush v0, $0xB;
	_ =	sdelay $0x3  }
0xd6: {  	v1 =	vadd.f32 v2, v1;
	_ =	sdelay $0x1  }
0xd7: {  	[tilespmem:s2+$0x10] =	vst v1;
	s19 =	spop (v2sf)  }
0xd8: {  	v1 =	vld [tilespmem:s1+$0x80]  }
0xd9: {  	v2 =	vld [tilespmem:s19+$0x0]  }
0xda: {  	(v2sf) =	vpush v0, $0xC;
	_ =	sdelay $0x3  }
0xdb: {  	v1 =	vadd.f32 v2, v1;
	_ =	sdelay $0x1  }
0xdc: {  	[tilespmem:s2+$0x20] =	vst v1;
	s19 =	spop (v2sf)  }
0xdd: {  	v1 =	vld [tilespmem:s1+$0xC0]  }
0xde: {  	v2 =	vld [tilespmem:s19+$0x0]  }
0xdf: {  	(v2sf) =	vpush v0, $0xD;
	_ =	sdelay $0x3  }
0xe0: {  	v1 =	vadd.f32 v2, v1;
	_ =	sdelay $0x1  }
0xe1: {  	[tilespmem:s2+$0x30] =	vst v1;
	s19 =	spop (v2sf)  }
0xe2: {  	v1 =	vld [tilespmem:s1+$0x100]  }
0xe3: {  	v2 =	vld [tilespmem:s19+$0x0]  }
0xe4: {  	(v2sf) =	vpush v0, $0xE;
	_ =	sdelay $0x3  }
0xe5: {  	v1 =	vadd.f32 v2, v1;
	_ =	sdelay $0x1  }
0xe6: {  	[tilespmem:s2+$0x40] =	vst v1;
	s19 =	spop (v2sf)  }
0xe7: {  	v1 =	vld [tilespmem:s1+$0x140]  }
0xe8: {  	v2 =	vld [tilespmem:s19+$0x0]  }
0xe9: {  	(v2sf) =	vpush v0, $0xF;
	_ =	sdelay $0x3  }
.Ltmp0:
0xea: {  	v0 =	vadd.f32 v2, v1;
	(pc) =	sbr.rel @p0 .LBB2_3-.Ltmp0, $4  }
0xeb: {  	_ = 	snop  }
0xec: {  	[tilespmem:s2+$0x50] =	vst v0;
	s19 =	spop (v2sf)  }
0xed: {  	v0 =	vld [tilespmem:s1+$0x180]  }
0xee: {  	v1 =	vld [tilespmem:s19+$0x0]  }
0xef: {  	_ =	sdelay $0x3  }
0xf0: {  	v0 =	vadd.f32 v1, v0;
	_ =	sdelay $0x1  }
0xf1: {  	[tilespmem:s13+$0x60] =	vst v0  }
0xf2: {  	s1 =	spop (v2sf);
	v0 =	vld [tilespmem:s18+$0x1C0]  }
0xf3: {  	v63 =	vld [tilespmem:s1+$0x0];
	_ =	sdelay $0x4  }
0xf4: {  	v0 =	vadd.f32 v63, v0  }
0xf5: {  	s19 =	sshll.u32 s7, $0x3;
	s2 =	rddreg [dreg:$0x1]  }
0xf6: {  	s20 =	simm.s32 $0x0;
	s2 =	sadd.s32 s2, s19;
	[tilespmem:s13+$0x70] =	vst v0  }
0xf7: {  	[hbm4b:s2+s20] =	stream.linear.scatter [tilespmem:s16], [sflag:$0x3], $0x10000, $0x38;
	[tilespmem:$0x15480] =	vst v63  }
0xf8: {  	s10 =	sadd.s32 $0x1, s10;
	_ =	swait.ge [sflag:s12], $0x10000  }
0xf9: {  	p0 =	sne.s32 s10, $0x19;
	[sflag:s12] =	ssyncset.done $0x0  }
.Ltmp1:
0xfa: {  	s1 =	sadd.s32 s19, s9;
	[sflag:s12] =	ssyncadd.s32 $0xFFFF0000;
	(pc) =	sbr.rel @p0 .LBB2_2-.Ltmp1, $4  }
0xfb: {  	[hbm4b:s1+s0] =	stream.strided.scatter [tilespmem:s11], [sflag:$0x3], $0x4000, s3, s0, $0x38;
	[tilespmem:$0x15480] =	vst v63  }
0xfc: {  	_ =	swait.ge [sflag:s12], $0x4000  }
0xfd: {  	[sflag:s12] =	ssyncset.done $0x0  }
0xfe: {  	[sflag:s12] =	ssyncadd.s32 $0xFFFFC000  }
0xff: {  	s2 =	rddreg [dreg:$0x5]  }
0x100: {  	s1 =	rddreg [dreg:$0x4];
	s2 =	sadd.s32 $0x1, s2  }
0x101: {  	p0 =	sne.s32 s2, s1  }
.Ltmp2:
0x102: {  	_ = 	snop;
	(pc) =	sbr.rel @p0 .LBB2_1-.Ltmp2, $1  }
0x103: {  	_ =	sdelay $0x3  }
0x104: {  	_ =	sfence.sel $0x180000  }
0x105: {  	[bflag:$0x0] =	sbarrier.arrive $0xFFFF  }
0x106: {  	_ =	strace $0x90000047  }
0x107: {  	s0 =	stileid.u32;
	[bflag:$0x2] =	sbarrier.arrive $0xFFFF  }
0x108: {  	p0 =	sne.s32 s0, $0x0;
	s0 =	rddreg [dreg:$0x2]  }
0x109: {  	s0 =	sadd.s32 @!p0 $0x100000, s0  }
0x10a: {  	[sflag:s0] =	ssyncadd.tile.s32 @!p0 $0x1;
	_ =	shalt  }
.Lfunc_end2:
_tile_overlayer_lowered:
.L_overlay_start_2:
0x10b: {  	(tag) =	ssettag $0x2  }
0x10c: {  	s0 =	rddreg [dreg:$0x0];
	s2 =	stileid.u32  }
0x10d: {  	s1 =	rddreg [dreg:$0x1];
	p0 =	sne.s32 s2, $0x0  }
0x10e: {  	s3 =	rddreg [dreg:$0x2];
	[bflag:$0x3] =	sbarrier.arrive $0xFFFF;
	s2 =	simm.s32 @!p0 $0x1C03  }
0x10f: {  	[timem:s3], [sflag:s2] =	dma.local @!p0 [hbm:s0], s1  }
0x110: {  	s0 =	simm.s32 @!p0 $0x3  }
0x111: {  	_ =	swait.ge @!p0 [sflag:s0], s1  }
0x112: {  	s1 =	ssub.s32 @!p0 $0x0, s1;
	[sflag:s0] =	ssyncset.done @!p0 $0x0  }
0x113: {  	[sflag:s0] =	ssyncadd.s32 @!p0 s1  }
0x114: {  	[bflag:$0x3] =	sbarrier.arrive $0xFFFF  }
0x115: {  	_ =	shalt  }

// kernel: sparse-core-data-format-call.cloned.1.call-start
scs
called_computation_lowered:
.L_overlay_start_0:
0x0: {  	s2 =	sld [smem:$0x3FD9]  }
0x1: {  	s3 =	sld [smem:$0x3FFE];
	_ =	sdelay $0x1  }
0x2: {  	s1 =	srdreg.scid  }
0x3: {  	s0 =	sand.u32 $0x1, s1  }
0x4: {  	s18 =	sshll.u32 s0, $0xA;
	s2 =	sadd.s32 s3, s2  }
0x5: {  	s2 =	sadd.s32 s2, s18  }
0x6: {  	[smem:$0x3FC4] =	sst s2  }
0x7: {  	_ = 	snop  }
0x8: {  	s2 =	sld [smem:$0x3FD0];
	(tm) =	ssettm $0x1  }
0x9: {  	s19 =	sld [smem:$0x3FFB];
	_ =	sdelay $0x3  }
0xa: {  	_ =	strace s19  }
0xb: {  	s3 =	sld [smem:$0x3FFC];
	_ =	sdelay $0x3  }
0xc: {  	_ =	strace s3  }
0xd: {  	s3 =	sld [smem:$0x3FFD];
	_ =	sdelay $0x3  }
0xe: {  	_ =	strace s3  }
0xf: {  	_ =	strace $0x8FFFFFFF  }
0x10: {  	s20 =	sld [smem:$0x3FDB];
	_ =	sdelay $0x1  }
0x11: {  	s4 =	simm.s32 $_scs_section_size  }
0x12: {  	s5 =	simm.s32 $_size__tile_overlayer_lowered;
	s6 =	simm.s32 $_tile_overlayer_lowered  }
0x13: {  	s23 =	simm.s32 $0x1BFF;
	s22 =	sshll.u32 s6, $0x1;
	s3 =	sadd.s32 s4, s20  }
0x14: {  	s7 =	simm.s32 $0x0;
	s21 =	sshll.u32 s5, $0x1;
	s5 =	sadd.s32 s22, s3  }
0x15: {  	[timem:s7], [sflag:s23] =	dma.local [hbm:s5], s21  }
0x16: {  	_ =	swait.ge [sflag:s23], s21  }
0x17: {  	s4 =	ssub.s32 $0x0, s21;
	[sflag:s23] =	ssyncset.done $0x0  }
0x18: {  	[sflag:s23] =	ssyncadd.s32 s4;
	_ =	sdelay $0x1  }
0x19: {  	s24 =	simm.s32 $0x1B8B  }
0x1a: {  	_ =	swait.ge [sflag:s24], $0x1  }
0x1b: {  	[sflag:s24] =	ssyncset.done $0x0  }
0x1c: {  	s26 =	simm.s32 $0x1B8E;
	s25 =	sld [smem:$0x3FFE];
	[sflag:s24] =	ssyncadd.s32 $0xFFFFFFFF  }
0x1d: {  	s27 =	simm.s32 $execute0_lowered;
	[smem:$0x3FD2] =	sst s26  }
0x1e: {  	s5 =	sshll.u32 s27, $0x1;
	_ =	strace $0x80000049;
	[dreg:$0x1] =	wrdreg $0xFFFFFFFF  }
0x1f: {  	s28 =	simm.s32 $_size_execute0_lowered;
	s3 =	sadd.s32 s3, s5;
	[dreg:$0x0] =	wrdreg $0x0  }
0x20: {  	s5 =	sshll.u32 s28, $0x1;
	[dreg:$0x2] =	wrdreg s3  }
0x21: {  	[dreg:$0x3] =	wrdreg s5  }
0x22: {  	[dreg:$0x4] =	wrdreg $0xC0  }
0x23: {  	_ =	task [dreg:s7], $0x5FFFF  }
0x24: {  	[dreg:$0x1] =	wrdreg $0xFFFFFFFF  }
0x25: {  	[dreg:$0x0] =	wrdreg $0x60  }
0x26: {  	[dreg:$0x2] =	wrdreg s25  }
0x27: {  	[dreg:$0x3] =	wrdreg s2  }
0x28: {  	[dreg:$0x4] =	wrdreg $0x9  }
0x29: {  	_ =	task.clear_ibuf [dreg:s7], $0x5FFFF;
	_ =	strace $0x90000049  }
0x2a: {  	s29 =	simm.s32 $0x9;
	_ =	strace $0x8000004B  }
0x2b: {  	_ =	swait.ge [sflag:s29], $0x1  }
0x2c: {  	[sflag:s29] =	ssyncadd.s32 $0xFFFFFFFF  }
0x2d: {  	_ =	strace $0x9000004B  }
0x2e: {  	_ =	sfence  }
0x2f: {  	s30 =	sld [smem:$0x0];
	_ =	sdelay $0x2  }
0x30: {  	s31 =	sshll.u32 s1, $0xD;
	s1 =	sshrl.u32 s1, $0x2  }
0x31: {  	s3 =	sand.u32 $0x4000, s31;
	s1 =	sadd.s32 s1, s30  }
0x32: {  	s0 =	sor.u32 s3, s0;
	s1 =	sshll.u32 s1, $0x11  }
0x33: {  	s0 =	sor.u32 s1, s0  }
0x34: {  	s0 =	sadd.s32 $0x8F2B, s0  }
0x35: {  	[sflag:s0] =	ssyncadd.remote.s32 $0x1  }
0x36: {  	_ =	sfence.sel $0xFFFF  }
0x37: {  	[dreg:$0x0] =	wrdreg $0xFFFFFFFF;
	(pc) =	sbr.abs _section_cstart, $3  }
0x38: {  	[dreg:$0x1] =	wrdreg $0xFFFFFFFF  }
0x39: {  	_ =	task.clear_ibuf [dreg:s7], $0x2FFFF;
	_ =	strace $0x9FFFFFFF  }
0x3a: {  	(tm) =	ssettm $0x7FFFFFFF  }
0x3b: {  	_ =	shalt  }
tec
execute0_lowered:
.L_overlay_start_1:
0x0: {  	(tag) =	ssettag $0x1  }
0x1: {  	s0 =	srdreg.scid  }
0x2: {  	s1 =	sshll.u32 s0, $0x4  }
0x3: {  	s0 =	stileid.u32;
	s1 =	sand.u32 $0x10, s1  }
0x4: {  	s1 =	sor.u32 s0, s1  }
0x5: {  	s6 =	rddreg [dreg:$0x0];
	s4 =	simm.s32 $0x1;
	s2 =	sshll.u32 s1, $0x7  }
0x6: {  	s7 =	simm.s32 $0x2;
	s12 =	simm.s32 $0x0;
	s1 =	ssub.s32 $0x1000, s2  }
0x7: {  	s8 =	simm.s32 $0x8000;
	s13 =	simm.s32 $0x0;
	s3 =	sand.u32 $0xF80, s1  }
0x8: {  	s9 =	simm.s32 $0x0;
	s5 =	sshrl.u32 s1, $0xC;
	p0 =	sne.s32 s3, $0x0  }
.Ltmp0:
0x9: {  	s1 =	rddreg [dreg:$0x2];
	s4 =	simm.s32 @!p0 $0x0;
	(pc) =	sbr.rel .LBB1_1-.Ltmp0, $4  }
0xa: {  	s11 =	simm.s32 $0x0;
	s3 =	rddreg [dreg:$0x1];
	s5 =	sadd.s32 s4, s5  }
0xb: {  	_ =	strace $0x8000004A;
	s4 =	simm.s32 $0x1;
	s5 =	smul.u32 $0xC8, s5  }
0xc: {  	s6 =	sadd.s32 $0xE00, s6;
	s10 =	smov.u32 s2;
	[sflag:s4] =	ssyncpa.u1 $0x0  }
0xd: {  	p0 =	por $0x0, $0x0;
	[sflag:s7] =	ssyncpa.u1 $0x0;
	s7 =	sor.u32 $0x1, s5  }
.LBB1_4:
0xe: {  	s16 =	sshll.u32 s13, $0x3;
	s17 =	sand.u32 $0x78, s13  }
0xf: {  	s30 =	sand.u32 $0x7E00, s13;
	s12 =	sshll.u32 s12, $0xF;
	s16 =	sand.u32 $0xC00, s16  }
0x10: {  	[tilespmem:s15+$0x810 ss:$0x81] =	vst.msk $0xffff, v2;
	s31 =	sand.u32 $0x7, s13;
	s16 =	sor.u32 s17, s16;
	s17 =	sadd.s32 s3, s30  }
0x11: {  	[tilespmem:s15+$0x1020 ss:$0x81] =	vst.msk $0xffff, v0;
	s13 =	sshll.u32 s31, $0x12;
	s12 =	sadd.s32 s12, s17;
	s16 =	sshrl.u32 s16, $0x3  }
0x12: {  	[tilespmem:s15+$0x0 ss:$0x81] =	vst.msk $0xffff, v1;
	s13 =	sor.u32 $0x400, s13;
	s12 =	sadd.s32 s16, s12  }
0x13: {  	[hbm4b:s12+s13] =	stream.strided.scatter [tilespmem:s14], [sflag:$0x2], $0x2000, s8, s13, $0x20;
	[tilespmem:$0x8080] =	vst v63  }
.LBB1_5:
0x14: {  	s14 =	sadd.s32 $0x1, s9  }
0x15: {  	s12 =	sadd.s32 $0x1000, s10;
	s16 =	smov.u32 s10;
	p2 =	sgt.s32 s14, $0xC7  }
0x16: {  	s16 =	smov.u32 @p2 s12  }
0x17: {  	s14 =	simm.s32 @p2 $0x0;
	p2 =	sgt.s32 s16, $0xFFF  }
0x18: {  	s16 =	smov.u32 @p2 s2;
	p2 =	sne.s32 s11, s7  }
.Ltmp1:
0x19: {  	p1 =	slt.u32 s11, $0x2;
	(pc) =	sbr.rel @!p2 .LBB1_6-.Ltmp1, $4  }
0x1a: {  	s15 =	simm.s32 @!p1 $0x2  }
0x1b: {  	s13 =	smov.u32 s10;
	p0 =	por !p0, !p0;
	_ =	swait.ge @!p1 [sflag:s15], $0x2000  }
0x1c: {  	s12 =	smov.u32 s9;
	[sflag:s15] =	ssyncset.done @!p1 $0x0;
	s9 =	smov.u32 s14  }
0x1d: {  	s11 =	sadd.s32 $0x1, s11;
	[sflag:s15] =	ssyncadd.s32 @!p1 $0xFFFFE000;
	s10 =	smov.u32 s16  }
.LBB1_1:
0x1e: {  	p1 =	sge.u32 s11, s5  }
0x1f: {  	s14 =	sand.u32 @!p1 $0x1FFFFFF, s9  }
0x20: {  	s15 =	smulhi.u32 @!p1 $0x147AE15, s14;
	_ =	sdelay $0x1  }
0x21: {  	s15 =	smul.u32 @!p1 $0xC8, s15  }
0x22: {  	s16 =	sxor.u32 @!p1 $0xFFFFFFFF, s11;
	s17 =	smul.u32 @!p1 $0xC80, s10  }
0x23: {  	s31 =	sadd.s32 $0xFFFFFFFF, s11;
	s16 =	sshll.u32 @!p1 s16, $0xD;
	s14 =	ssub.s32 @!p1 s14, s15  }
0x24: {  	s15 =	sand.u32 @!p1 $0x2000, s16;
	s16 =	sadd.s32 @!p1 s6, s17;
	s14 =	sshll.u32 @!p1 s14, $0x4  }
0x25: {  	s17 =	simm.s32 @!p1 $0x6400;
	s14 =	sadd.s32 @!p1 s14, s16;
	s16 =	simm.s32 @!p1 $0x40  }
0x26: {  	[tilespmem:s15], [sflag:$0x1] =	stream.strided.gather @!p1 [hbm4b:s14+s16], $0x2000, s17, s16, $0x38;
	[tilespmem:$0x8080] =	vst v63  }
0x27: {  	p1 =	sge.u32 s31, s5  }
.Ltmp2:
0x28: {  	_ = 	snop;
	(pc) =	sbr.rel @p1 .LBB1_5-.Ltmp2, $1  }
0x29: {  	_ =	sdelay $0x3  }
0x2a: {  	s14 =	simm.s32 $0x1  }
0x2b: {  	_ =	swait.ge [sflag:s4], $0x2000;
	s14 =	simm.s32 @!p0 $0x0  }
0x2c: {  	[sflag:s4] =	ssyncset.done $0x0;
	s15 =	sshll.u32 s14, $0xD  }
0x2d: {  	[sflag:s4] =	ssyncadd.s32 $0xFFFFE000;
	s18 =	sor.u32 $0x20, s15  }
0x2e: {  	s14 =	smul.u32 $0x8100, s14;
	v3 =	vld [tilespmem:s18+$0x10]  }
0x2f: {  	s30 =	sand.u32 $0x1, s11;
	v2 =	vld [tilespmem:s18+$0xFFFFFFF0]  }
0x30: {  	s15 =	smul.u32 $0x8100, s30;
	s14 =	sshrl.u32 s14, $0x2;
	v0 =	vld [tilespmem:s18+$0x0]  }
0x31: {  	v1 =	vld [tilespmem:s18+$0xFFFFFFE0];
	s16 =	sor.u32 $0x4000, s14  }
0x32: {  	s31 =	sshrl.u32 s15, $0x2;
	s15 =	sadd.s32 $0x0, s16  }
0x33: {  	s17 =	simm.s32 $0x4;
	s18 =	sadd.s32 $0x40, s18;
	s14 =	sor.u32 $0x4000, s31;
	[tilespmem:s15+$0x1830 ss:$0x81] =	vst.msk $0xffff, v3  }
.LBB1_3:
0x34: {  	v3 =	vld [tilespmem:s18+$0x10];
	p1 =	sne.s32 s17, $0x1FC;
	[tilespmem:s15+$0x810 ss:$0x81] =	vst.msk $0xffff, v2;
	s19 =	smov.u32 s17;
	s17 =	sadd.s32 $0x4, s17  }
.Ltmp3:
0x35: {  	v2 =	vld [tilespmem:s18+$0xFFFFFFF0];
	[tilespmem:s15+$0x1020 ss:$0x81] =	vst.msk $0xffff, v0;
	(pc) =	sbr.rel @p1 .LBB1_3-.Ltmp3, $4  }
0x36: {  	v0 =	vld [tilespmem:s18+$0x0];
	[tilespmem:s15+$0x0 ss:$0x81] =	vst.msk $0xffff, v1  }
0x37: {  	s15 =	sshra.s32 s19, $0x2;
	v1 =	vld [tilespmem:s18+$0xFFFFFFE0]  }
0x38: {  	s15 =	sadd.s32 s15, s16  }
0x39: {  	s18 =	sadd.s32 $0x40, s18;
	[tilespmem:s15+$0x1830 ss:$0x81] =	vst.msk $0xffff, v3  }
.Ltmp4:
0x3a: {  	_ = 	snop;
	(pc) =	sbr.rel .LBB1_4-.Ltmp4, $1  }
0x3b: {  	_ =	sdelay $0x3  }
.LBB1_6:
0x3c: {  	_ =	sfence.sel $0x180000  }
0x3d: {  	s2 =	simm.s32 $0x1;
	[bflag:$0x0] =	sbarrier.arrive $0xFFFF  }
0x3e: {  	s31 =	simm.s32 $0x2;
	[sflag:s2] =	ssyncpa.u1 $0x1  }
0x3f: {  	[sflag:s31] =	ssyncpa.u1 $0x1  }
0x40: {  	p0 =	sne.s32 s0, $0x0;
	_ =	strace $0x9000004A  }
0x41: {  	s0 =	sadd.s32 @!p0 $0x100000, s1;
	[bflag:$0x2] =	sbarrier.arrive $0xFFFF  }
0x42: {  	[sflag:s0] =	ssyncadd.tile.s32 @!p0 $0x1;
	_ =	shalt  }
.Lfunc_end1:
_tile_overlayer_lowered:
.L_overlay_start_2:
0x43: {  	(tag) =	ssettag $0x2  }
0x44: {  	s0 =	rddreg [dreg:$0x0];
	s2 =	stileid.u32  }
0x45: {  	s1 =	rddreg [dreg:$0x1];
	p0 =	sne.s32 s2, $0x0  }
0x46: {  	s3 =	rddreg [dreg:$0x2];
	[bflag:$0x3] =	sbarrier.arrive $0xFFFF;
	s2 =	simm.s32 @!p0 $0x1C01  }
0x47: {  	[timem:s3], [sflag:s2] =	dma.local @!p0 [hbm:s0], s1  }
0x48: {  	s0 =	simm.s32 @!p0 $0x1  }
0x49: {  	_ =	swait.ge @!p0 [sflag:s0], s1  }
0x4a: {  	s1 =	ssub.s32 @!p0 $0x0, s1;
	[sflag:s0] =	ssyncset.done @!p0 $0x0  }
0x4b: {  	[sflag:s0] =	ssyncadd.s32 @!p0 s1  }
0x4c: {  	[bflag:$0x3] =	sbarrier.arrive $0xFFFF  }
0x4d: {  	_ =	shalt  }

</sc_bundles>
